<compile_context>
chip_gen: v7x
topology: tpu7x:2x2x1
jax: 0.10.2.dev20260603
libtpu: 0.0.44.dev20260713+nightly
codegen_flags: <defaults>
</compile_context>

<pallas_src>
import functools

import jax
import jax.numpy as jnp
from jax import lax
from jax.experimental import pallas as pl
from jax.experimental.pallas import tpu as pltpu
from jax.experimental.pallas import tpu_sc as plsc

NC = 2
NS = 16
NW = NC * NS

CHUNK = 16
NBUF = 4


@functools.partial(jax.jit, static_argnums=(2, 3))
def _gather_rows(table, idx, n_idx, dim):
    b_per_w = n_idx // NW
    n_chunks = b_per_w // CHUNK
    n_groups = n_chunks // NBUF
    idx3 = idx.reshape(NW, n_chunks, CHUNK)

    mesh = plsc.VectorSubcoreMesh(core_axis_name="c", subcore_axis_name="s")

    @functools.partial(
        pl.kernel,
        mesh=mesh,
        out_type=jax.ShapeDtypeStruct((n_idx, dim), jnp.float32),
        scratch_types=[
            pltpu.VMEM((n_chunks, CHUNK), jnp.int32),
            pltpu.VMEM((NBUF, CHUNK, dim), jnp.float32),
            pltpu.SemaphoreType.DMA((NBUF,)),
            pltpu.SemaphoreType.DMA((NBUF,)),
        ],
    )
    def k(table_hbm, idx_hbm, out_hbm, idx_v, bufs, gsem, osem):
        wid = lax.axis_index("s") * NC + lax.axis_index("c")
        base = wid * b_per_w
        pltpu.sync_copy(idx_hbm.at[wid], idx_v)

        def body(g, carry):
            gathers = []
            for b in range(NBUF):
                c = g * NBUF + b

                @pl.when(g > 0)
                def _(b=b):
                    pltpu.make_async_copy(
                        bufs.at[b], out_hbm.at[pl.ds(0, CHUNK)], osem.at[b]
                    ).wait()

                gathers.append(
                    pltpu.async_copy(
                        table_hbm.at[idx_v.at[c]], bufs.at[b], gsem.at[b]
                    )
                )
            for b in range(NBUF):
                c = g * NBUF + b
                gathers[b].wait()
                pltpu.async_copy(
                    bufs.at[b],
                    out_hbm.at[pl.ds(base + c * CHUNK, CHUNK)],
                    osem.at[b],
                )
            return carry

        lax.fori_loop(0, n_groups, body, 0)
        for b in range(NBUF):
            pltpu.make_async_copy(
                bufs.at[b], out_hbm.at[pl.ds(0, CHUNK)], osem.at[b]
            ).wait()

    return k(table, idx3)


def kernel(position_ids, pe):
    batch, seq_len = position_ids.shape
    n_idx = batch * seq_len
    dim = pe.shape[1]
    flat = position_ids.reshape(n_idx)
    out = _gather_rows(pe, flat, n_idx, dim)
    return out.reshape(batch, seq_len, dim)

# --- scband reference (transcript-rebuilt; emitter-appended) ---
"""Pipeline reference for scband-sinusoidal-flat-80762565034076 (READ-ONLY COPY).

The authoritative reference and input builder live on the scoring server;
editing this copy changes nothing except your own understanding.
"""

import jax, jax.numpy as jnp
import numpy as np

DIM = 1024
MAX_SEQ_LEN = 8192
FREQ = 10000
BATCH = 4
SEQ_LEN = 8192


def _precompute(n, dim, freq):
    positions = jnp.arange(0, n, dtype=jnp.float32)[:, None]
    div_term = jnp.exp(jnp.arange(0, dim, 2, dtype=jnp.float32) * -(jnp.log(jnp.float32(freq)) / dim))
    pe = jnp.zeros((n, dim), dtype=jnp.float32)
    pe = pe.at[:, 0::2].set(jnp.sin(positions * div_term))
    pe = pe.at[:, 1::2].set(jnp.cos(positions * div_term))
    return pe


def setup_inputs(seed: int = 0) -> dict:
    key = jax.random.key(seed)
    position_ids = jax.random.randint(key, (BATCH, SEQ_LEN), 0, MAX_SEQ_LEN, dtype=jnp.int32)
    pe = _precompute(MAX_SEQ_LEN, DIM, FREQ)
    return {"position_ids": position_ids, "pe": pe}


def reference(position_ids, pe):
    # torch.nn.functional.embedding(position_ids, precomputed)
    return jnp.take(pe, position_ids, axis=0)

if __name__ == "__main__":
    import jax
    _d = setup_inputs()
    print(jax.jit(kernel)(*tuple(_d.values())))

</pallas_src>

<mosaic_0001>
#map = affine_map<(d0, d1) -> (0, 0)>
#map1 = affine_map<(d0, d1) -> (0, 0, 0)>
module attributes {stable_mosaic.version = 14 : i64} {
  func.func @k(%arg0: i32, %arg1: i32, %arg2: memref<8192x1024xf32, #tpu.memory_space<hbm>>, %arg3: memref<32x64x16xi32, #tpu.memory_space<hbm>>, %arg4: memref<32768x1024xf32, #tpu.memory_space<hbm>>, %arg5: memref<64x16xi32, #tpu.memory_space<vmem>>, %arg6: memref<4x16x1024xf32, #tpu.memory_space<vmem>>, %arg7: memref<4x!tpu.dma_semaphore, #tpu.memory_space<semaphore_mem>>, %arg8: memref<4x!tpu.dma_semaphore, #tpu.memory_space<semaphore_mem>>) attributes {dimension_semantics = [#tpu.dimension_semantics<core_parallel>, #tpu.dimension_semantics<subcore_parallel>], iteration_bounds = array<i64: 2, 16>, scalar_prefetch = 0 : i64, scratch_operands = 4 : i64, tpu.core_type = #tpu.core_type<sc_vector_subcore>, window_params = [{transform_indices = #map}, {transform_indices = #map1}, {transform_indices = #map}]} {
    %mul3A = arith.constant 2 : i32
    %mul3A_0 = arith.muli %arg1, %mul3A : i32
    %add3A = arith.addi %mul3A_0, %arg0 : i32
    %mul3A_1 = arith.constant 1024 : i32
    %mul3A_2 = arith.muli %add3A, %mul3A_1 : i32
    "tpu.region"() ({
      %run_scoped3A = tpu.sem_alloc : memref<!tpu.dma_semaphore, #tpu.memory_space<semaphore_mem>>
      %dma_start3A = arith.constant 0 : i32
      %dma_start3A_79 = arith.constant 0 : i32
      %dma_start3A_80 = tpu.memref_slice %arg3[%add3A, %dma_start3A, %dma_start3A_79] : memref<32x64x16xi32, #tpu.memory_space<hbm>> -> memref<1x64x16xi32, #tpu.memory_space<hbm>>
      %dma_start3A_81 = tpu.memref_squeeze %dma_start3A_80 : memref<1x64x16xi32, #tpu.memory_space<hbm>> -> memref<64x16xi32, #tpu.memory_space<hbm>>
      %dma_start3A_82 = arith.constant 0 : i32
      %dma_start3A_83 = arith.constant 0 : i32
      %dma_start3A_84 = tpu.memref_slice %arg3[%add3A, %dma_start3A_82, %dma_start3A_83] : memref<32x64x16xi32, #tpu.memory_space<hbm>> -> memref<1x64x16xi32, #tpu.memory_space<hbm>>
      %dma_start3A_85 = tpu.memref_squeeze %dma_start3A_84 : memref<1x64x16xi32, #tpu.memory_space<hbm>> -> memref<64x16xi32, #tpu.memory_space<hbm>>
      tpu.enqueue_dma source(%dma_start3A_85 : memref<64x16xi32, #tpu.memory_space<hbm>>) target(%arg5 : memref<64x16xi32, #tpu.memory_space<vmem>>) target_semaphore(%run_scoped3A : memref<!tpu.dma_semaphore, #tpu.memory_space<semaphore_mem>>)
      %dma_wait3A_86 = arith.constant 0 : i32
      %dma_wait3A_87 = arith.constant 0 : i32
      %dma_wait3A_88 = tpu.memref_slice %arg3[%add3A, %dma_wait3A_86, %dma_wait3A_87] : memref<32x64x16xi32, #tpu.memory_space<hbm>> -> memref<1x64x16xi32, #tpu.memory_space<hbm>>
      %dma_wait3A_89 = tpu.memref_squeeze %dma_wait3A_88 : memref<1x64x16xi32, #tpu.memory_space<hbm>> -> memref<64x16xi32, #tpu.memory_space<hbm>>
      %dma_wait3A_90 = arith.constant 0 : i32
      %dma_wait3A_91 = arith.constant 0 : i32
      %dma_wait3A_92 = tpu.memref_slice %arg3[%add3A, %dma_wait3A_90, %dma_wait3A_91] : memref<32x64x16xi32, #tpu.memory_space<hbm>> -> memref<1x64x16xi32, #tpu.memory_space<hbm>>
      %dma_wait3A_93 = tpu.memref_squeeze %dma_wait3A_92 : memref<1x64x16xi32, #tpu.memory_space<hbm>> -> memref<64x16xi32, #tpu.memory_space<hbm>>
      tpu.wait_dma2 semaphore(%run_scoped3A : memref<!tpu.dma_semaphore, #tpu.memory_space<semaphore_mem>>) src(%dma_wait3A_93 : memref<64x16xi32, #tpu.memory_space<hbm>>) dst(%arg5 : memref<64x16xi32, #tpu.memory_space<vmem>>)
      tpu.yield
    }) : () -> ()
    %scan3A = arith.constant 0 : i32
    %scan3A_3 = arith.constant 0 : i32
    %scan3A_4 = arith.constant 16 : i32
    %scan3A_5 = arith.addi %scan3A_3, %scan3A_4 : i32
    %scan3A_6 = arith.constant 1 : i32
    scf.for %scan3A_79 = %scan3A_3 to %scan3A_5 step %scan3A_6  : i32 {
      %mul3A_80 = arith.constant 4 : i32
      %mul3A_81 = arith.muli %scan3A_79, %mul3A_80 : i32
      %add3A_82 = arith.constant 0 : i32
      %add3A_83 = arith.addi %mul3A_81, %add3A_82 : i32
      %gt3A = arith.constant 0 : i32
      %gt3A_84 = arith.cmpi sgt, %scan3A_79, %gt3A : i32
      %convert_element_type3A = arith.extui %gt3A_84 : i1 to i32
      %cond3A = arith.constant 0 : i32
      %cond3A_85 = arith.cmpi ne, %convert_element_type3A, %cond3A : i32
      scf.if %cond3A_85 {
        %dma_wait3A_316 = arith.constant 0 : i32
        %dma_wait3A_317 = arith.constant 0 : i32
        %dma_wait3A_318 = arith.constant 0 : i32
        %dma_wait3A_319 = arith.constant 0 : i32
        %dma_wait3A_320 = tpu.memref_slice %arg6[%dma_wait3A_316, %dma_wait3A_318, %dma_wait3A_319] : memref<4x16x1024xf32, #tpu.memory_space<vmem>> -> memref<1x16x1024xf32, #tpu.memory_space<vmem>>
        %dma_wait3A_321 = tpu.memref_squeeze %dma_wait3A_320 : memref<1x16x1024xf32, #tpu.memory_space<vmem>> -> memref<16x1024xf32, #tpu.memory_space<vmem>>
        %dma_wait3A_322 = arith.constant 0 : i32
        %dma_wait3A_323 = arith.constant 0 : i32
        %dma_wait3A_324 = tpu.memref_slice %arg4[%dma_wait3A_322, %dma_wait3A_323] : memref<32768x1024xf32, #tpu.memory_space<hbm>> -> memref<16x1024xf32, #tpu.memory_space<hbm>>
        %dma_wait3A_325 = tpu.memref_slice %arg8[%dma_wait3A_317] : memref<4x!tpu.dma_semaphore, #tpu.memory_space<semaphore_mem>> -> memref<1x!tpu.dma_semaphore, #tpu.memory_space<semaphore_mem>>
        %dma_wait3A_326 = tpu.memref_squeeze %dma_wait3A_325 : memref<1x!tpu.dma_semaphore, #tpu.memory_space<semaphore_mem>> -> memref<!tpu.dma_semaphore, #tpu.memory_space<semaphore_mem>>
        %dma_wait3A_327 = arith.constant 0 : i32
        %dma_wait3A_328 = arith.constant 0 : i32
        %dma_wait3A_329 = tpu.memref_slice %arg4[%dma_wait3A_327, %dma_wait3A_328] : memref<32768x1024xf32, #tpu.memory_space<hbm>> -> memref<16x1024xf32, #tpu.memory_space<hbm>>
        %dma_wait3A_330 = arith.constant 0 : i32
        %dma_wait3A_331 = arith.constant 0 : i32
        %dma_wait3A_332 = tpu.memref_slice %arg6[%dma_wait3A_316, %dma_wait3A_330, %dma_wait3A_331] : memref<4x16x1024xf32, #tpu.memory_space<vmem>> -> memref<1x16x1024xf32, #tpu.memory_space<vmem>>
        %dma_wait3A_333 = tpu.memref_squeeze %dma_wait3A_332 : memref<1x16x1024xf32, #tpu.memory_space<vmem>> -> memref<16x1024xf32, #tpu.memory_space<vmem>>
        tpu.wait_dma2 semaphore(%dma_wait3A_326 : memref<!tpu.dma_semaphore, #tpu.memory_space<semaphore_mem>>) src(%dma_wait3A_333 : memref<16x1024xf32, #tpu.memory_space<vmem>>) dst(%dma_wait3A_329 : memref<16x1024xf32, #tpu.memory_space<hbm>>)
      } else {
      }
      %dma_start3A = arith.constant 0 : i32
      %dma_start3A_86 = arith.constant 0 : i32
      %dma_start3A_87 = arith.constant 0 : i32
      %dma_start3A_88 = arith.constant 0 : i32
      %dma_start3A_89 = tpu.memref_slice %arg6[%dma_start3A, %dma_start3A_87, %dma_start3A_88] : memref<4x16x1024xf32, #tpu.memory_space<vmem>> -> memref<1x16x1024xf32, #tpu.memory_space<vmem>>
      %dma_start3A_90 = tpu.memref_squeeze %dma_start3A_89 : memref<1x16x1024xf32, #tpu.memory_space<vmem>> -> memref<16x1024xf32, #tpu.memory_space<vmem>>
      %dma_start3A_91 = arith.constant 0 : i32
      %dma_start3A_92 = tpu.memref_slice %arg5[%add3A_83, %dma_start3A_91] : memref<64x16xi32, #tpu.memory_space<vmem>> -> memref<1x16xi32, #tpu.memory_space<vmem>>
      %dma_start3A_93 = tpu.memref_squeeze %dma_start3A_92 : memref<1x16xi32, #tpu.memory_space<vmem>> -> memref<16xi32, #tpu.memory_space<vmem>>
      %dma_start3A_94 = arith.constant 0 : i32
      %dma_start3A_95 = arith.constant 0 : i32
      %dma_start3A_96 = tpu.memref_slice %arg2[%dma_start3A_94, %dma_start3A_95] : memref<8192x1024xf32, #tpu.memory_space<hbm>> -> memref<8192x1024xf32, #tpu.memory_space<hbm>>
      %dma_start3A_97 = tpu.memref_slice %arg7[%dma_start3A_86] : memref<4x!tpu.dma_semaphore, #tpu.memory_space<semaphore_mem>> -> memref<1x!tpu.dma_semaphore, #tpu.memory_space<semaphore_mem>>
      %dma_start3A_98 = tpu.memref_squeeze %dma_start3A_97 : memref<1x!tpu.dma_semaphore, #tpu.memory_space<semaphore_mem>> -> memref<!tpu.dma_semaphore, #tpu.memory_space<semaphore_mem>>
      tpu.enqueue_indirect_dma source(%dma_start3A_96 : memref<8192x1024xf32, #tpu.memory_space<hbm>>) target(%dma_start3A_90 : memref<16x1024xf32, #tpu.memory_space<vmem>>) offsets(%dma_start3A_93 : memref<16xi32, #tpu.memory_space<vmem>>) semaphore(%dma_start3A_98 : memref<!tpu.dma_semaphore, #tpu.memory_space<semaphore_mem>>)
      %mul3A_99 = arith.constant 4 : i32
      %mul3A_100 = arith.muli %scan3A_79, %mul3A_99 : i32
      %add3A_101 = arith.constant 1 : i32
      %add3A_102 = arith.addi %mul3A_100, %add3A_101 : i32
      %gt3A_103 = arith.constant 0 : i32
      %gt3A_104 = arith.cmpi sgt, %scan3A_79, %gt3A_103 : i32
      %convert_element_type3A_105 = arith.extui %gt3A_104 : i1 to i32
      %cond3A_106 = arith.constant 0 : i32
      %cond3A_107 = arith.cmpi ne, %convert_element_type3A_105, %cond3A_106 : i32
      scf.if %cond3A_107 {
        %dma_wait3A_316 = arith.constant 1 : i32
        %dma_wait3A_317 = arith.constant 1 : i32
        %dma_wait3A_318 = arith.constant 0 : i32
        %dma_wait3A_319 = arith.constant 0 : i32
        %dma_wait3A_320 = tpu.memref_slice %arg6[%dma_wait3A_316, %dma_wait3A_318, %dma_wait3A_319] : memref<4x16x1024xf32, #tpu.memory_space<vmem>> -> memref<1x16x1024xf32, #tpu.memory_space<vmem>>
        %dma_wait3A_321 = tpu.memref_squeeze %dma_wait3A_320 : memref<1x16x1024xf32, #tpu.memory_space<vmem>> -> memref<16x1024xf32, #tpu.memory_space<vmem>>
        %dma_wait3A_322 = arith.constant 0 : i32
        %dma_wait3A_323 = arith.constant 0 : i32
        %dma_wait3A_324 = tpu.memref_slice %arg4[%dma_wait3A_322, %dma_wait3A_323] : memref<32768x1024xf32, #tpu.memory_space<hbm>> -> memref<16x1024xf32, #tpu.memory_space<hbm>>
        %dma_wait3A_325 = tpu.memref_slice %arg8[%dma_wait3A_317] : memref<4x!tpu.dma_semaphore, #tpu.memory_space<semaphore_mem>> -> memref<1x!tpu.dma_semaphore, #tpu.memory_space<semaphore_mem>>
        %dma_wait3A_326 = tpu.memref_squeeze %dma_wait3A_325 : memref<1x!tpu.dma_semaphore, #tpu.memory_space<semaphore_mem>> -> memref<!tpu.dma_semaphore, #tpu.memory_space<semaphore_mem>>
        %dma_wait3A_327 = arith.constant 0 : i32
        %dma_wait3A_328 = arith.constant 0 : i32
        %dma_wait3A_329 = tpu.memref_slice %arg4[%dma_wait3A_327, %dma_wait3A_328] : memref<32768x1024xf32, #tpu.memory_space<hbm>> -> memref<16x1024xf32, #tpu.memory_space<hbm>>
        %dma_wait3A_330 = arith.constant 0 : i32
        %dma_wait3A_331 = arith.constant 0 : i32
        %dma_wait3A_332 = tpu.memref_slice %arg6[%dma_wait3A_316, %dma_wait3A_330, %dma_wait3A_331] : memref<4x16x1024xf32, #tpu.memory_space<vmem>> -> memref<1x16x1024xf32, #tpu.memory_space<vmem>>
        %dma_wait3A_333 = tpu.memref_squeeze %dma_wait3A_332 : memref<1x16x1024xf32, #tpu.memory_space<vmem>> -> memref<16x1024xf32, #tpu.memory_space<vmem>>
        tpu.wait_dma2 semaphore(%dma_wait3A_326 : memref<!tpu.dma_semaphore, #tpu.memory_space<semaphore_mem>>) src(%dma_wait3A_333 : memref<16x1024xf32, #tpu.memory_space<vmem>>) dst(%dma_wait3A_329 : memref<16x1024xf32, #tpu.memory_space<hbm>>)
      } else {
      }
      %dma_start3A_108 = arith.constant 1 : i32
      %dma_start3A_109 = arith.constant 1 : i32
      %dma_start3A_110 = arith.constant 0 : i32
      %dma_start3A_111 = arith.constant 0 : i32
      %dma_start3A_112 = tpu.memref_slice %arg6[%dma_start3A_108, %dma_start3A_110, %dma_start3A_111] : memref<4x16x1024xf32, #tpu.memory_space<vmem>> -> memref<1x16x1024xf32, #tpu.memory_space<vmem>>
      %dma_start3A_113 = tpu.memref_squeeze %dma_start3A_112 : memref<1x16x1024xf32, #tpu.memory_space<vmem>> -> memref<16x1024xf32, #tpu.memory_space<vmem>>
      %dma_start3A_114 = arith.constant 0 : i32
      %dma_start3A_115 = tpu.memref_slice %arg5[%add3A_102, %dma_start3A_114] : memref<64x16xi32, #tpu.memory_space<vmem>> -> memref<1x16xi32, #tpu.memory_space<vmem>>
      %dma_start3A_116 = tpu.memref_squeeze %dma_start3A_115 : memref<1x16xi32, #tpu.memory_space<vmem>> -> memref<16xi32, #tpu.memory_space<vmem>>
      %dma_start3A_117 = arith.constant 0 : i32
      %dma_start3A_118 = arith.constant 0 : i32
      %dma_start3A_119 = tpu.memref_slice %arg2[%dma_start3A_117, %dma_start3A_118] : memref<8192x1024xf32, #tpu.memory_space<hbm>> -> memref<8192x1024xf32, #tpu.memory_space<hbm>>
      %dma_start3A_120 = tpu.memref_slice %arg7[%dma_start3A_109] : memref<4x!tpu.dma_semaphore, #tpu.memory_space<semaphore_mem>> -> memref<1x!tpu.dma_semaphore, #tpu.memory_space<semaphore_mem>>
      %dma_start3A_121 = tpu.memref_squeeze %dma_start3A_120 : memref<1x!tpu.dma_semaphore, #tpu.memory_space<semaphore_mem>> -> memref<!tpu.dma_semaphore, #tpu.memory_space<semaphore_mem>>
      tpu.enqueue_indirect_dma source(%dma_start3A_119 : memref<8192x1024xf32, #tpu.memory_space<hbm>>) target(%dma_start3A_113 : memref<16x1024xf32, #tpu.memory_space<vmem>>) offsets(%dma_start3A_116 : memref<16xi32, #tpu.memory_space<vmem>>) semaphore(%dma_start3A_121 : memref<!tpu.dma_semaphore, #tpu.memory_space<semaphore_mem>>)
      %mul3A_122 = arith.constant 4 : i32
      %mul3A_123 = arith.muli %scan3A_79, %mul3A_122 : i32
      %add3A_124 = arith.constant 2 : i32
      %add3A_125 = arith.addi %mul3A_123, %add3A_124 : i32
      %gt3A_126 = arith.constant 0 : i32
      %gt3A_127 = arith.cmpi sgt, %scan3A_79, %gt3A_126 : i32
      %convert_element_type3A_128 = arith.extui %gt3A_127 : i1 to i32
      %cond3A_129 = arith.constant 0 : i32
      %cond3A_130 = arith.cmpi ne, %convert_element_type3A_128, %cond3A_129 : i32
      scf.if %cond3A_130 {
        %dma_wait3A_316 = arith.constant 2 : i32
        %dma_wait3A_317 = arith.constant 2 : i32
        %dma_wait3A_318 = arith.constant 0 : i32
        %dma_wait3A_319 = arith.constant 0 : i32
        %dma_wait3A_320 = tpu.memref_slice %arg6[%dma_wait3A_316, %dma_wait3A_318, %dma_wait3A_319] : memref<4x16x1024xf32, #tpu.memory_space<vmem>> -> memref<1x16x1024xf32, #tpu.memory_space<vmem>>
        %dma_wait3A_321 = tpu.memref_squeeze %dma_wait3A_320 : memref<1x16x1024xf32, #tpu.memory_space<vmem>> -> memref<16x1024xf32, #tpu.memory_space<vmem>>
        %dma_wait3A_322 = arith.constant 0 : i32
        %dma_wait3A_323 = arith.constant 0 : i32
        %dma_wait3A_324 = tpu.memref_slice %arg4[%dma_wait3A_322, %dma_wait3A_323] : memref<32768x1024xf32, #tpu.memory_space<hbm>> -> memref<16x1024xf32, #tpu.memory_space<hbm>>
        %dma_wait3A_325 = tpu.memref_slice %arg8[%dma_wait3A_317] : memref<4x!tpu.dma_semaphore, #tpu.memory_space<semaphore_mem>> -> memref<1x!tpu.dma_semaphore, #tpu.memory_space<semaphore_mem>>
        %dma_wait3A_326 = tpu.memref_squeeze %dma_wait3A_325 : memref<1x!tpu.dma_semaphore, #tpu.memory_space<semaphore_mem>> -> memref<!tpu.dma_semaphore, #tpu.memory_space<semaphore_mem>>
        %dma_wait3A_327 = arith.constant 0 : i32
        %dma_wait3A_328 = arith.constant 0 : i32
        %dma_wait3A_329 = tpu.memref_slice %arg4[%dma_wait3A_327, %dma_wait3A_328] : memref<32768x1024xf32, #tpu.memory_space<hbm>> -> memref<16x1024xf32, #tpu.memory_space<hbm>>
        %dma_wait3A_330 = arith.constant 0 : i32
        %dma_wait3A_331 = arith.constant 0 : i32
        %dma_wait3A_332 = tpu.memref_slice %arg6[%dma_wait3A_316, %dma_wait3A_330, %dma_wait3A_331] : memref<4x16x1024xf32, #tpu.memory_space<vmem>> -> memref<1x16x1024xf32, #tpu.memory_space<vmem>>
        %dma_wait3A_333 = tpu.memref_squeeze %dma_wait3A_332 : memref<1x16x1024xf32, #tpu.memory_space<vmem>> -> memref<16x1024xf32, #tpu.memory_space<vmem>>
        tpu.wait_dma2 semaphore(%dma_wait3A_326 : memref<!tpu.dma_semaphore, #tpu.memory_space<semaphore_mem>>) src(%dma_wait3A_333 : memref<16x1024xf32, #tpu.memory_space<vmem>>) dst(%dma_wait3A_329 : memref<16x1024xf32, #tpu.memory_space<hbm>>)
      } else {
      }
      %dma_start3A_131 = arith.constant 2 : i32
      %dma_start3A_132 = arith.constant 2 : i32
      %dma_start3A_133 = arith.constant 0 : i32
      %dma_start3A_134 = arith.constant 0 : i32
      %dma_start3A_135 = tpu.memref_slice %arg6[%dma_start3A_131, %dma_start3A_133, %dma_start3A_134] : memref<4x16x1024xf32, #tpu.memory_space<vmem>> -> memref<1x16x1024xf32, #tpu.memory_space<vmem>>
      %dma_start3A_136 = tpu.memref_squeeze %dma_start3A_135 : memref<1x16x1024xf32, #tpu.memory_space<vmem>> -> memref<16x1024xf32, #tpu.memory_space<vmem>>
      %dma_start3A_137 = arith.constant 0 : i32
      %dma_start3A_138 = tpu.memref_slice %arg5[%add3A_125, %dma_start3A_137] : memref<64x16xi32, #tpu.memory_space<vmem>> -> memref<1x16xi32, #tpu.memory_space<vmem>>
      %dma_start3A_139 = tpu.memref_squeeze %dma_start3A_138 : memref<1x16xi32, #tpu.memory_space<vmem>> -> memref<16xi32, #tpu.memory_space<vmem>>
      %dma_start3A_140 = arith.constant 0 : i32
      %dma_start3A_141 = arith.constant 0 : i32
      %dma_start3A_142 = tpu.memref_slice %arg2[%dma_start3A_140, %dma_start3A_141] : memref<8192x1024xf32, #tpu.memory_space<hbm>> -> memref<8192x1024xf32, #tpu.memory_space<hbm>>
      %dma_start3A_143 = tpu.memref_slice %arg7[%dma_start3A_132] : memref<4x!tpu.dma_semaphore, #tpu.memory_space<semaphore_mem>> -> memref<1x!tpu.dma_semaphore, #tpu.memory_space<semaphore_mem>>
      %dma_start3A_144 = tpu.memref_squeeze %dma_start3A_143 : memref<1x!tpu.dma_semaphore, #tpu.memory_space<semaphore_mem>> -> memref<!tpu.dma_semaphore, #tpu.memory_space<semaphore_mem>>
      tpu.enqueue_indirect_dma source(%dma_start3A_142 : memref<8192x1024xf32, #tpu.memory_space<hbm>>) target(%dma_start3A_136 : memref<16x1024xf32, #tpu.memory_space<vmem>>) offsets(%dma_start3A_139 : memref<16xi32, #tpu.memory_space<vmem>>) semaphore(%dma_start3A_144 : memref<!tpu.dma_semaphore, #tpu.memory_space<semaphore_mem>>)
      %mul3A_145 = arith.constant 4 : i32
      %mul3A_146 = arith.muli %scan3A_79, %mul3A_145 : i32
      %add3A_147 = arith.constant 3 : i32
      %add3A_148 = arith.addi %mul3A_146, %add3A_147 : i32
      %gt3A_149 = arith.constant 0 : i32
      %gt3A_150 = arith.cmpi sgt, %scan3A_79, %gt3A_149 : i32
      %convert_element_type3A_151 = arith.extui %gt3A_150 : i1 to i32
      %cond3A_152 = arith.constant 0 : i32
      %cond3A_153 = arith.cmpi ne, %convert_element_type3A_151, %cond3A_152 : i32
      scf.if %cond3A_153 {
        %dma_wait3A_316 = arith.constant 3 : i32
        %dma_wait3A_317 = arith.constant 3 : i32
        %dma_wait3A_318 = arith.constant 0 : i32
        %dma_wait3A_319 = arith.constant 0 : i32
        %dma_wait3A_320 = tpu.memref_slice %arg6[%dma_wait3A_316, %dma_wait3A_318, %dma_wait3A_319] : memref<4x16x1024xf32, #tpu.memory_space<vmem>> -> memref<1x16x1024xf32, #tpu.memory_space<vmem>>
        %dma_wait3A_321 = tpu.memref_squeeze %dma_wait3A_320 : memref<1x16x1024xf32, #tpu.memory_space<vmem>> -> memref<16x1024xf32, #tpu.memory_space<vmem>>
        %dma_wait3A_322 = arith.constant 0 : i32
        %dma_wait3A_323 = arith.constant 0 : i32
        %dma_wait3A_324 = tpu.memref_slice %arg4[%dma_wait3A_322, %dma_wait3A_323] : memref<32768x1024xf32, #tpu.memory_space<hbm>> -> memref<16x1024xf32, #tpu.memory_space<hbm>>
        %dma_wait3A_325 = tpu.memref_slice %arg8[%dma_wait3A_317] : memref<4x!tpu.dma_semaphore, #tpu.memory_space<semaphore_mem>> -> memref<1x!tpu.dma_semaphore, #tpu.memory_space<semaphore_mem>>
        %dma_wait3A_326 = tpu.memref_squeeze %dma_wait3A_325 : memref<1x!tpu.dma_semaphore, #tpu.memory_space<semaphore_mem>> -> memref<!tpu.dma_semaphore, #tpu.memory_space<semaphore_mem>>
        %dma_wait3A_327 = arith.constant 0 : i32
        %dma_wait3A_328 = arith.constant 0 : i32
        %dma_wait3A_329 = tpu.memref_slice %arg4[%dma_wait3A_327, %dma_wait3A_328] : memref<32768x1024xf32, #tpu.memory_space<hbm>> -> memref<16x1024xf32, #tpu.memory_space<hbm>>
        %dma_wait3A_330 = arith.constant 0 : i32
        %dma_wait3A_331 = arith.constant 0 : i32
        %dma_wait3A_332 = tpu.memref_slice %arg6[%dma_wait3A_316, %dma_wait3A_330, %dma_wait3A_331] : memref<4x16x1024xf32, #tpu.memory_space<vmem>> -> memref<1x16x1024xf32, #tpu.memory_space<vmem>>
        %dma_wait3A_333 = tpu.memref_squeeze %dma_wait3A_332 : memref<1x16x1024xf32, #tpu.memory_space<vmem>> -> memref<16x1024xf32, #tpu.memory_space<vmem>>
        tpu.wait_dma2 semaphore(%dma_wait3A_326 : memref<!tpu.dma_semaphore, #tpu.memory_space<semaphore_mem>>) src(%dma_wait3A_333 : memref<16x1024xf32, #tpu.memory_space<vmem>>) dst(%dma_wait3A_329 : memref<16x1024xf32, #tpu.memory_space<hbm>>)
      } else {
      }
      %dma_start3A_154 = arith.constant 3 : i32
      %dma_start3A_155 = arith.constant 3 : i32
      %dma_start3A_156 = arith.constant 0 : i32
      %dma_start3A_157 = arith.constant 0 : i32
      %dma_start3A_158 = tpu.memref_slice %arg6[%dma_start3A_154, %dma_start3A_156, %dma_start3A_157] : memref<4x16x1024xf32, #tpu.memory_space<vmem>> -> memref<1x16x1024xf32, #tpu.memory_space<vmem>>
      %dma_start3A_159 = tpu.memref_squeeze %dma_start3A_158 : memref<1x16x1024xf32, #tpu.memory_space<vmem>> -> memref<16x1024xf32, #tpu.memory_space<vmem>>
      %dma_start3A_160 = arith.constant 0 : i32
      %dma_start3A_161 = tpu.memref_slice %arg5[%add3A_148, %dma_start3A_160] : memref<64x16xi32, #tpu.memory_space<vmem>> -> memref<1x16xi32, #tpu.memory_space<vmem>>
      %dma_start3A_162 = tpu.memref_squeeze %dma_start3A_161 : memref<1x16xi32, #tpu.memory_space<vmem>> -> memref<16xi32, #tpu.memory_space<vmem>>
      %dma_start3A_163 = arith.constant 0 : i32
      %dma_start3A_164 = arith.constant 0 : i32
      %dma_start3A_165 = tpu.memref_slice %arg2[%dma_start3A_163, %dma_start3A_164] : memref<8192x1024xf32, #tpu.memory_space<hbm>> -> memref<8192x1024xf32, #tpu.memory_space<hbm>>
      %dma_start3A_166 = tpu.memref_slice %arg7[%dma_start3A_155] : memref<4x!tpu.dma_semaphore, #tpu.memory_space<semaphore_mem>> -> memref<1x!tpu.dma_semaphore, #tpu.memory_space<semaphore_mem>>
      %dma_start3A_167 = tpu.memref_squeeze %dma_start3A_166 : memref<1x!tpu.dma_semaphore, #tpu.memory_space<semaphore_mem>> -> memref<!tpu.dma_semaphore, #tpu.memory_space<semaphore_mem>>
      tpu.enqueue_indirect_dma source(%dma_start3A_165 : memref<8192x1024xf32, #tpu.memory_space<hbm>>) target(%dma_start3A_159 : memref<16x1024xf32, #tpu.memory_space<vmem>>) offsets(%dma_start3A_162 : memref<16xi32, #tpu.memory_space<vmem>>) semaphore(%dma_start3A_167 : memref<!tpu.dma_semaphore, #tpu.memory_space<semaphore_mem>>)
      %mul3A_168 = arith.constant 4 : i32
      %mul3A_169 = arith.muli %scan3A_79, %mul3A_168 : i32
      %add3A_170 = arith.constant 0 : i32
      %add3A_171 = arith.addi %mul3A_169, %add3A_170 : i32
      %dma_wait3A_172 = arith.constant 0 : i32
      %dma_wait3A_173 = arith.constant 0 : i32
      %dma_wait3A_174 = arith.constant 0 : i32
      %dma_wait3A_175 = arith.constant 0 : i32
      %dma_wait3A_176 = tpu.memref_slice %arg6[%dma_wait3A_172, %dma_wait3A_174, %dma_wait3A_175] : memref<4x16x1024xf32, #tpu.memory_space<vmem>> -> memref<1x16x1024xf32, #tpu.memory_space<vmem>>
      %dma_wait3A_177 = tpu.memref_squeeze %dma_wait3A_176 : memref<1x16x1024xf32, #tpu.memory_space<vmem>> -> memref<16x1024xf32, #tpu.memory_space<vmem>>
      %dma_wait3A_178 = arith.constant 0 : i32
      %dma_wait3A_179 = tpu.memref_slice %arg5[%add3A_83, %dma_wait3A_178] : memref<64x16xi32, #tpu.memory_space<vmem>> -> memref<1x16xi32, #tpu.memory_space<vmem>>
      %dma_wait3A_180 = tpu.memref_squeeze %dma_wait3A_179 : memref<1x16xi32, #tpu.memory_space<vmem>> -> memref<16xi32, #tpu.memory_space<vmem>>
      %dma_wait3A_181 = arith.constant 0 : i32
      %dma_wait3A_182 = arith.constant 0 : i32
      %dma_wait3A_183 = tpu.memref_slice %arg2[%dma_wait3A_181, %dma_wait3A_182] : memref<8192x1024xf32, #tpu.memory_space<hbm>> -> memref<8192x1024xf32, #tpu.memory_space<hbm>>
      %dma_wait3A_184 = tpu.memref_slice %arg7[%dma_wait3A_173] : memref<4x!tpu.dma_semaphore, #tpu.memory_space<semaphore_mem>> -> memref<1x!tpu.dma_semaphore, #tpu.memory_space<semaphore_mem>>
      %dma_wait3A_185 = tpu.memref_squeeze %dma_wait3A_184 : memref<1x!tpu.dma_semaphore, #tpu.memory_space<semaphore_mem>> -> memref<!tpu.dma_semaphore, #tpu.memory_space<semaphore_mem>>
      tpu.wait_indirect_dma semaphore(%dma_wait3A_185 : memref<!tpu.dma_semaphore, #tpu.memory_space<semaphore_mem>>) src(%dma_wait3A_183 : memref<8192x1024xf32, #tpu.memory_space<hbm>>) dst(%dma_wait3A_177 : memref<16x1024xf32, #tpu.memory_space<vmem>>)
      %mul3A_186 = arith.constant 16 : i32
      %mul3A_187 = arith.muli %add3A_171, %mul3A_186 : i32
      %add3A_188 = arith.addi %mul3A_2, %mul3A_187 : i32
      %dma_start3A_189 = arith.constant 0 : i32
      %dma_start3A_190 = arith.constant 0 : i32
      %dma_start3A_191 = arith.constant 0 : i32
      %dma_start3A_192 = arith.constant 0 : i32
      %dma_start3A_193 = tpu.memref_slice %arg6[%dma_start3A_189, %dma_start3A_191, %dma_start3A_192] : memref<4x16x1024xf32, #tpu.memory_space<vmem>> -> memref<1x16x1024xf32, #tpu.memory_space<vmem>>
      %dma_start3A_194 = tpu.memref_squeeze %dma_start3A_193 : memref<1x16x1024xf32, #tpu.memory_space<vmem>> -> memref<16x1024xf32, #tpu.memory_space<vmem>>
      %dma_start3A_195 = arith.constant 0 : i32
      %dma_start3A_196 = tpu.memref_slice %arg4[%add3A_188, %dma_start3A_195] : memref<32768x1024xf32, #tpu.memory_space<hbm>> -> memref<16x1024xf32, #tpu.memory_space<hbm>>
      %dma_start3A_197 = tpu.memref_slice %arg8[%dma_start3A_190] : memref<4x!tpu.dma_semaphore, #tpu.memory_space<semaphore_mem>> -> memref<1x!tpu.dma_semaphore, #tpu.memory_space<semaphore_mem>>
      %dma_start3A_198 = tpu.memref_squeeze %dma_start3A_197 : memref<1x!tpu.dma_semaphore, #tpu.memory_space<semaphore_mem>> -> memref<!tpu.dma_semaphore, #tpu.memory_space<semaphore_mem>>
      %dma_start3A_199 = arith.constant 0 : i32
      %dma_start3A_200 = tpu.memref_slice %arg4[%add3A_188, %dma_start3A_199] : memref<32768x1024xf32, #tpu.memory_space<hbm>> -> memref<16x1024xf32, #tpu.memory_space<hbm>>
      %dma_start3A_201 = arith.constant 0 : i32
      %dma_start3A_202 = arith.constant 0 : i32
      %dma_start3A_203 = tpu.memref_slice %arg6[%dma_start3A_189, %dma_start3A_201, %dma_start3A_202] : memref<4x16x1024xf32, #tpu.memory_space<vmem>> -> memref<1x16x1024xf32, #tpu.memory_space<vmem>>
      %dma_start3A_204 = tpu.memref_squeeze %dma_start3A_203 : memref<1x16x1024xf32, #tpu.memory_space<vmem>> -> memref<16x1024xf32, #tpu.memory_space<vmem>>
      tpu.enqueue_dma source(%dma_start3A_204 : memref<16x1024xf32, #tpu.memory_space<vmem>>) target(%dma_start3A_200 : memref<16x1024xf32, #tpu.memory_space<hbm>>) target_semaphore(%dma_start3A_198 : memref<!tpu.dma_semaphore, #tpu.memory_space<semaphore_mem>>)
      %mul3A_205 = arith.constant 4 : i32
      %mul3A_206 = arith.muli %scan3A_79, %mul3A_205 : i32
      %add3A_207 = arith.constant 1 : i32
      %add3A_208 = arith.addi %mul3A_206, %add3A_207 : i32
      %dma_wait3A_209 = arith.constant 1 : i32
      %dma_wait3A_210 = arith.constant 1 : i32
      %dma_wait3A_211 = arith.constant 0 : i32
      %dma_wait3A_212 = arith.constant 0 : i32
      %dma_wait3A_213 = tpu.memref_slice %arg6[%dma_wait3A_209, %dma_wait3A_211, %dma_wait3A_212] : memref<4x16x1024xf32, #tpu.memory_space<vmem>> -> memref<1x16x1024xf32, #tpu.memory_space<vmem>>
      %dma_wait3A_214 = tpu.memref_squeeze %dma_wait3A_213 : memref<1x16x1024xf32, #tpu.memory_space<vmem>> -> memref<16x1024xf32, #tpu.memory_space<vmem>>
      %dma_wait3A_215 = arith.constant 0 : i32
      %dma_wait3A_216 = tpu.memref_slice %arg5[%add3A_102, %dma_wait3A_215] : memref<64x16xi32, #tpu.memory_space<vmem>> -> memref<1x16xi32, #tpu.memory_space<vmem>>
      %dma_wait3A_217 = tpu.memref_squeeze %dma_wait3A_216 : memref<1x16xi32, #tpu.memory_space<vmem>> -> memref<16xi32, #tpu.memory_space<vmem>>
      %dma_wait3A_218 = arith.constant 0 : i32
      %dma_wait3A_219 = arith.constant 0 : i32
      %dma_wait3A_220 = tpu.memref_slice %arg2[%dma_wait3A_218, %dma_wait3A_219] : memref<8192x1024xf32, #tpu.memory_space<hbm>> -> memref<8192x1024xf32, #tpu.memory_space<hbm>>
      %dma_wait3A_221 = tpu.memref_slice %arg7[%dma_wait3A_210] : memref<4x!tpu.dma_semaphore, #tpu.memory_space<semaphore_mem>> -> memref<1x!tpu.dma_semaphore, #tpu.memory_space<semaphore_mem>>
      %dma_wait3A_222 = tpu.memref_squeeze %dma_wait3A_221 : memref<1x!tpu.dma_semaphore, #tpu.memory_space<semaphore_mem>> -> memref<!tpu.dma_semaphore, #tpu.memory_space<semaphore_mem>>
      tpu.wait_indirect_dma semaphore(%dma_wait3A_222 : memref<!tpu.dma_semaphore, #tpu.memory_space<semaphore_mem>>) src(%dma_wait3A_220 : memref<8192x1024xf32, #tpu.memory_space<hbm>>) dst(%dma_wait3A_214 : memref<16x1024xf32, #tpu.memory_space<vmem>>)
      %mul3A_223 = arith.constant 16 : i32
      %mul3A_224 = arith.muli %add3A_208, %mul3A_223 : i32
      %add3A_225 = arith.addi %mul3A_2, %mul3A_224 : i32
      %dma_start3A_226 = arith.constant 1 : i32
      %dma_start3A_227 = arith.constant 1 : i32
      %dma_start3A_228 = arith.constant 0 : i32
      %dma_start3A_229 = arith.constant 0 : i32
      %dma_start3A_230 = tpu.memref_slice %arg6[%dma_start3A_226, %dma_start3A_228, %dma_start3A_229] : memref<4x16x1024xf32, #tpu.memory_space<vmem>> -> memref<1x16x1024xf32, #tpu.memory_space<vmem>>
      %dma_start3A_231 = tpu.memref_squeeze %dma_start3A_230 : memref<1x16x1024xf32, #tpu.memory_space<vmem>> -> memref<16x1024xf32, #tpu.memory_space<vmem>>
      %dma_start3A_232 = arith.constant 0 : i32
      %dma_start3A_233 = tpu.memref_slice %arg4[%add3A_225, %dma_start3A_232] : memref<32768x1024xf32, #tpu.memory_space<hbm>> -> memref<16x1024xf32, #tpu.memory_space<hbm>>
      %dma_start3A_234 = tpu.memref_slice %arg8[%dma_start3A_227] : memref<4x!tpu.dma_semaphore, #tpu.memory_space<semaphore_mem>> -> memref<1x!tpu.dma_semaphore, #tpu.memory_space<semaphore_mem>>
      %dma_start3A_235 = tpu.memref_squeeze %dma_start3A_234 : memref<1x!tpu.dma_semaphore, #tpu.memory_space<semaphore_mem>> -> memref<!tpu.dma_semaphore, #tpu.memory_space<semaphore_mem>>
      %dma_start3A_236 = arith.constant 0 : i32
      %dma_start3A_237 = tpu.memref_slice %arg4[%add3A_225, %dma_start3A_236] : memref<32768x1024xf32, #tpu.memory_space<hbm>> -> memref<16x1024xf32, #tpu.memory_space<hbm>>
      %dma_start3A_238 = arith.constant 0 : i32
      %dma_start3A_239 = arith.constant 0 : i32
      %dma_start3A_240 = tpu.memref_slice %arg6[%dma_start3A_226, %dma_start3A_238, %dma_start3A_239] : memref<4x16x1024xf32, #tpu.memory_space<vmem>> -> memref<1x16x1024xf32, #tpu.memory_space<vmem>>
      %dma_start3A_241 = tpu.memref_squeeze %dma_start3A_240 : memref<1x16x1024xf32, #tpu.memory_space<vmem>> -> memref<16x1024xf32, #tpu.memory_space<vmem>>
      tpu.enqueue_dma source(%dma_start3A_241 : memref<16x1024xf32, #tpu.memory_space<vmem>>) target(%dma_start3A_237 : memref<16x1024xf32, #tpu.memory_space<hbm>>) target_semaphore(%dma_start3A_235 : memref<!tpu.dma_semaphore, #tpu.memory_space<semaphore_mem>>)
      %mul3A_242 = arith.constant 4 : i32
      %mul3A_243 = arith.muli %scan3A_79, %mul3A_242 : i32
      %add3A_244 = arith.constant 2 : i32
      %add3A_245 = arith.addi %mul3A_243, %add3A_244 : i32
      %dma_wait3A_246 = arith.constant 2 : i32
      %dma_wait3A_247 = arith.constant 2 : i32
      %dma_wait3A_248 = arith.constant 0 : i32
      %dma_wait3A_249 = arith.constant 0 : i32
      %dma_wait3A_250 = tpu.memref_slice %arg6[%dma_wait3A_246, %dma_wait3A_248, %dma_wait3A_249] : memref<4x16x1024xf32, #tpu.memory_space<vmem>> -> memref<1x16x1024xf32, #tpu.memory_space<vmem>>
      %dma_wait3A_251 = tpu.memref_squeeze %dma_wait3A_250 : memref<1x16x1024xf32, #tpu.memory_space<vmem>> -> memref<16x1024xf32, #tpu.memory_space<vmem>>
      %dma_wait3A_252 = arith.constant 0 : i32
      %dma_wait3A_253 = tpu.memref_slice %arg5[%add3A_125, %dma_wait3A_252] : memref<64x16xi32, #tpu.memory_space<vmem>> -> memref<1x16xi32, #tpu.memory_space<vmem>>
      %dma_wait3A_254 = tpu.memref_squeeze %dma_wait3A_253 : memref<1x16xi32, #tpu.memory_space<vmem>> -> memref<16xi32, #tpu.memory_space<vmem>>
      %dma_wait3A_255 = arith.constant 0 : i32
      %dma_wait3A_256 = arith.constant 0 : i32
      %dma_wait3A_257 = tpu.memref_slice %arg2[%dma_wait3A_255, %dma_wait3A_256] : memref<8192x1024xf32, #tpu.memory_space<hbm>> -> memref<8192x1024xf32, #tpu.memory_space<hbm>>
      %dma_wait3A_258 = tpu.memref_slice %arg7[%dma_wait3A_247] : memref<4x!tpu.dma_semaphore, #tpu.memory_space<semaphore_mem>> -> memref<1x!tpu.dma_semaphore, #tpu.memory_space<semaphore_mem>>
      %dma_wait3A_259 = tpu.memref_squeeze %dma_wait3A_258 : memref<1x!tpu.dma_semaphore, #tpu.memory_space<semaphore_mem>> -> memref<!tpu.dma_semaphore, #tpu.memory_space<semaphore_mem>>
      tpu.wait_indirect_dma semaphore(%dma_wait3A_259 : memref<!tpu.dma_semaphore, #tpu.memory_space<semaphore_mem>>) src(%dma_wait3A_257 : memref<8192x1024xf32, #tpu.memory_space<hbm>>) dst(%dma_wait3A_251 : memref<16x1024xf32, #tpu.memory_space<vmem>>)
      %mul3A_260 = arith.constant 16 : i32
      %mul3A_261 = arith.muli %add3A_245, %mul3A_260 : i32
      %add3A_262 = arith.addi %mul3A_2, %mul3A_261 : i32
      %dma_start3A_263 = arith.constant 2 : i32
      %dma_start3A_264 = arith.constant 2 : i32
      %dma_start3A_265 = arith.constant 0 : i32
      %dma_start3A_266 = arith.constant 0 : i32
      %dma_start3A_267 = tpu.memref_slice %arg6[%dma_start3A_263, %dma_start3A_265, %dma_start3A_266] : memref<4x16x1024xf32, #tpu.memory_space<vmem>> -> memref<1x16x1024xf32, #tpu.memory_space<vmem>>
      %dma_start3A_268 = tpu.memref_squeeze %dma_start3A_267 : memref<1x16x1024xf32, #tpu.memory_space<vmem>> -> memref<16x1024xf32, #tpu.memory_space<vmem>>
      %dma_start3A_269 = arith.constant 0 : i32
      %dma_start3A_270 = tpu.memref_slice %arg4[%add3A_262, %dma_start3A_269] : memref<32768x1024xf32, #tpu.memory_space<hbm>> -> memref<16x1024xf32, #tpu.memory_space<hbm>>
      %dma_start3A_271 = tpu.memref_slice %arg8[%dma_start3A_264] : memref<4x!tpu.dma_semaphore, #tpu.memory_space<semaphore_mem>> -> memref<1x!tpu.dma_semaphore, #tpu.memory_space<semaphore_mem>>
      %dma_start3A_272 = tpu.memref_squeeze %dma_start3A_271 : memref<1x!tpu.dma_semaphore, #tpu.memory_space<semaphore_mem>> -> memref<!tpu.dma_semaphore, #tpu.memory_space<semaphore_mem>>
      %dma_start3A_273 = arith.constant 0 : i32
      %dma_start3A_274 = tpu.memref_slice %arg4[%add3A_262, %dma_start3A_273] : memref<32768x1024xf32, #tpu.memory_space<hbm>> -> memref<16x1024xf32, #tpu.memory_space<hbm>>
      %dma_start3A_275 = arith.constant 0 : i32
      %dma_start3A_276 = arith.constant 0 : i32
      %dma_start3A_277 = tpu.memref_slice %arg6[%dma_start3A_263, %dma_start3A_275, %dma_start3A_276] : memref<4x16x1024xf32, #tpu.memory_space<vmem>> -> memref<1x16x1024xf32, #tpu.memory_space<vmem>>
      %dma_start3A_278 = tpu.memref_squeeze %dma_start3A_277 : memref<1x16x1024xf32, #tpu.memory_space<vmem>> -> memref<16x1024xf32, #tpu.memory_space<vmem>>
      tpu.enqueue_dma source(%dma_start3A_278 : memref<16x1024xf32, #tpu.memory_space<vmem>>) target(%dma_start3A_274 : memref<16x1024xf32, #tpu.memory_space<hbm>>) target_semaphore(%dma_start3A_272 : memref<!tpu.dma_semaphore, #tpu.memory_space<semaphore_mem>>)
      %mul3A_279 = arith.constant 4 : i32
      %mul3A_280 = arith.muli %scan3A_79, %mul3A_279 : i32
      %add3A_281 = arith.constant 3 : i32
      %add3A_282 = arith.addi %mul3A_280, %add3A_281 : i32
      %dma_wait3A_283 = arith.constant 3 : i32
      %dma_wait3A_284 = arith.constant 3 : i32
      %dma_wait3A_285 = arith.constant 0 : i32
      %dma_wait3A_286 = arith.constant 0 : i32
      %dma_wait3A_287 = tpu.memref_slice %arg6[%dma_wait3A_283, %dma_wait3A_285, %dma_wait3A_286] : memref<4x16x1024xf32, #tpu.memory_space<vmem>> -> memref<1x16x1024xf32, #tpu.memory_space<vmem>>
      %dma_wait3A_288 = tpu.memref_squeeze %dma_wait3A_287 : memref<1x16x1024xf32, #tpu.memory_space<vmem>> -> memref<16x1024xf32, #tpu.memory_space<vmem>>
      %dma_wait3A_289 = arith.constant 0 : i32
      %dma_wait3A_290 = tpu.memref_slice %arg5[%add3A_148, %dma_wait3A_289] : memref<64x16xi32, #tpu.memory_space<vmem>> -> memref<1x16xi32, #tpu.memory_space<vmem>>
      %dma_wait3A_291 = tpu.memref_squeeze %dma_wait3A_290 : memref<1x16xi32, #tpu.memory_space<vmem>> -> memref<16xi32, #tpu.memory_space<vmem>>
      %dma_wait3A_292 = arith.constant 0 : i32
      %dma_wait3A_293 = arith.constant 0 : i32
      %dma_wait3A_294 = tpu.memref_slice %arg2[%dma_wait3A_292, %dma_wait3A_293] : memref<8192x1024xf32, #tpu.memory_space<hbm>> -> memref<8192x1024xf32, #tpu.memory_space<hbm>>
      %dma_wait3A_295 = tpu.memref_slice %arg7[%dma_wait3A_284] : memref<4x!tpu.dma_semaphore, #tpu.memory_space<semaphore_mem>> -> memref<1x!tpu.dma_semaphore, #tpu.memory_space<semaphore_mem>>
      %dma_wait3A_296 = tpu.memref_squeeze %dma_wait3A_295 : memref<1x!tpu.dma_semaphore, #tpu.memory_space<semaphore_mem>> -> memref<!tpu.dma_semaphore, #tpu.memory_space<semaphore_mem>>
      tpu.wait_indirect_dma semaphore(%dma_wait3A_296 : memref<!tpu.dma_semaphore, #tpu.memory_space<semaphore_mem>>) src(%dma_wait3A_294 : memref<8192x1024xf32, #tpu.memory_space<hbm>>) dst(%dma_wait3A_288 : memref<16x1024xf32, #tpu.memory_space<vmem>>)
      %mul3A_297 = arith.constant 16 : i32
      %mul3A_298 = arith.muli %add3A_282, %mul3A_297 : i32
      %add3A_299 = arith.addi %mul3A_2, %mul3A_298 : i32
      %dma_start3A_300 = arith.constant 3 : i32
      %dma_start3A_301 = arith.constant 3 : i32
      %dma_start3A_302 = arith.constant 0 : i32
      %dma_start3A_303 = arith.constant 0 : i32
      %dma_start3A_304 = tpu.memref_slice %arg6[%dma_start3A_300, %dma_start3A_302, %dma_start3A_303] : memref<4x16x1024xf32, #tpu.memory_space<vmem>> -> memref<1x16x1024xf32, #tpu.memory_space<vmem>>
      %dma_start3A_305 = tpu.memref_squeeze %dma_start3A_304 : memref<1x16x1024xf32, #tpu.memory_space<vmem>> -> memref<16x1024xf32, #tpu.memory_space<vmem>>
      %dma_start3A_306 = arith.constant 0 : i32
      %dma_start3A_307 = tpu.memref_slice %arg4[%add3A_299, %dma_start3A_306] : memref<32768x1024xf32, #tpu.memory_space<hbm>> -> memref<16x1024xf32, #tpu.memory_space<hbm>>
      %dma_start3A_308 = tpu.memref_slice %arg8[%dma_start3A_301] : memref<4x!tpu.dma_semaphore, #tpu.memory_space<semaphore_mem>> -> memref<1x!tpu.dma_semaphore, #tpu.memory_space<semaphore_mem>>
      %dma_start3A_309 = tpu.memref_squeeze %dma_start3A_308 : memref<1x!tpu.dma_semaphore, #tpu.memory_space<semaphore_mem>> -> memref<!tpu.dma_semaphore, #tpu.memory_space<semaphore_mem>>
      %dma_start3A_310 = arith.constant 0 : i32
      %dma_start3A_311 = tpu.memref_slice %arg4[%add3A_299, %dma_start3A_310] : memref<32768x1024xf32, #tpu.memory_space<hbm>> -> memref<16x1024xf32, #tpu.memory_space<hbm>>
      %dma_start3A_312 = arith.constant 0 : i32
      %dma_start3A_313 = arith.constant 0 : i32
      %dma_start3A_314 = tpu.memref_slice %arg6[%dma_start3A_300, %dma_start3A_312, %dma_start3A_313] : memref<4x16x1024xf32, #tpu.memory_space<vmem>> -> memref<1x16x1024xf32, #tpu.memory_space<vmem>>
      %dma_start3A_315 = tpu.memref_squeeze %dma_start3A_314 : memref<1x16x1024xf32, #tpu.memory_space<vmem>> -> memref<16x1024xf32, #tpu.memory_space<vmem>>
      tpu.enqueue_dma source(%dma_start3A_315 : memref<16x1024xf32, #tpu.memory_space<vmem>>) target(%dma_start3A_311 : memref<16x1024xf32, #tpu.memory_space<hbm>>) target_semaphore(%dma_start3A_309 : memref<!tpu.dma_semaphore, #tpu.memory_space<semaphore_mem>>)
    }
    %scan3A_7 = arith.constant 16 : i32
    %dma_wait3A = arith.constant 0 : i32
    %dma_wait3A_8 = arith.constant 0 : i32
    %dma_wait3A_9 = arith.constant 0 : i32
    %dma_wait3A_10 = arith.constant 0 : i32
    %dma_wait3A_11 = tpu.memref_slice %arg6[%dma_wait3A, %dma_wait3A_9, %dma_wait3A_10] : memref<4x16x1024xf32, #tpu.memory_space<vmem>> -> memref<1x16x1024xf32, #tpu.memory_space<vmem>>
    %dma_wait3A_12 = tpu.memref_squeeze %dma_wait3A_11 : memref<1x16x1024xf32, #tpu.memory_space<vmem>> -> memref<16x1024xf32, #tpu.memory_space<vmem>>
    %dma_wait3A_13 = arith.constant 0 : i32
    %dma_wait3A_14 = arith.constant 0 : i32
    %dma_wait3A_15 = tpu.memref_slice %arg4[%dma_wait3A_13, %dma_wait3A_14] : memref<32768x1024xf32, #tpu.memory_space<hbm>> -> memref<16x1024xf32, #tpu.memory_space<hbm>>
    %dma_wait3A_16 = tpu.memref_slice %arg8[%dma_wait3A_8] : memref<4x!tpu.dma_semaphore, #tpu.memory_space<semaphore_mem>> -> memref<1x!tpu.dma_semaphore, #tpu.memory_space<semaphore_mem>>
    %dma_wait3A_17 = tpu.memref_squeeze %dma_wait3A_16 : memref<1x!tpu.dma_semaphore, #tpu.memory_space<semaphore_mem>> -> memref<!tpu.dma_semaphore, #tpu.memory_space<semaphore_mem>>
    %dma_wait3A_18 = arith.constant 0 : i32
    %dma_wait3A_19 = arith.constant 0 : i32
    %dma_wait3A_20 = tpu.memref_slice %arg4[%dma_wait3A_18, %dma_wait3A_19] : memref<32768x1024xf32, #tpu.memory_space<hbm>> -> memref<16x1024xf32, #tpu.memory_space<hbm>>
    %dma_wait3A_21 = arith.constant 0 : i32
    %dma_wait3A_22 = arith.constant 0 : i32
    %dma_wait3A_23 = tpu.memref_slice %arg6[%dma_wait3A, %dma_wait3A_21, %dma_wait3A_22] : memref<4x16x1024xf32, #tpu.memory_space<vmem>> -> memref<1x16x1024xf32, #tpu.memory_space<vmem>>
    %dma_wait3A_24 = tpu.memref_squeeze %dma_wait3A_23 : memref<1x16x1024xf32, #tpu.memory_space<vmem>> -> memref<16x1024xf32, #tpu.memory_space<vmem>>
    tpu.wait_dma2 semaphore(%dma_wait3A_17 : memref<!tpu.dma_semaphore, #tpu.memory_space<semaphore_mem>>) src(%dma_wait3A_24 : memref<16x1024xf32, #tpu.memory_space<vmem>>) dst(%dma_wait3A_20 : memref<16x1024xf32, #tpu.memory_space<hbm>>)
    %dma_wait3A_25 = arith.constant 1 : i32
    %dma_wait3A_26 = arith.constant 1 : i32
    %dma_wait3A_27 = arith.constant 0 : i32
    %dma_wait3A_28 = arith.constant 0 : i32
    %dma_wait3A_29 = tpu.memref_slice %arg6[%dma_wait3A_25, %dma_wait3A_27, %dma_wait3A_28] : memref<4x16x1024xf32, #tpu.memory_space<vmem>> -> memref<1x16x1024xf32, #tpu.memory_space<vmem>>
    %dma_wait3A_30 = tpu.memref_squeeze %dma_wait3A_29 : memref<1x16x1024xf32, #tpu.memory_space<vmem>> -> memref<16x1024xf32, #tpu.memory_space<vmem>>
    %dma_wait3A_31 = arith.constant 0 : i32
    %dma_wait3A_32 = arith.constant 0 : i32
    %dma_wait3A_33 = tpu.memref_slice %arg4[%dma_wait3A_31, %dma_wait3A_32] : memref<32768x1024xf32, #tpu.memory_space<hbm>> -> memref<16x1024xf32, #tpu.memory_space<hbm>>
    %dma_wait3A_34 = tpu.memref_slice %arg8[%dma_wait3A_26] : memref<4x!tpu.dma_semaphore, #tpu.memory_space<semaphore_mem>> -> memref<1x!tpu.dma_semaphore, #tpu.memory_space<semaphore_mem>>
    %dma_wait3A_35 = tpu.memref_squeeze %dma_wait3A_34 : memref<1x!tpu.dma_semaphore, #tpu.memory_space<semaphore_mem>> -> memref<!tpu.dma_semaphore, #tpu.memory_space<semaphore_mem>>
    %dma_wait3A_36 = arith.constant 0 : i32
    %dma_wait3A_37 = arith.constant 0 : i32
    %dma_wait3A_38 = tpu.memref_slice %arg4[%dma_wait3A_36, %dma_wait3A_37] : memref<32768x1024xf32, #tpu.memory_space<hbm>> -> memref<16x1024xf32, #tpu.memory_space<hbm>>
    %dma_wait3A_39 = arith.constant 0 : i32
    %dma_wait3A_40 = arith.constant 0 : i32
    %dma_wait3A_41 = tpu.memref_slice %arg6[%dma_wait3A_25, %dma_wait3A_39, %dma_wait3A_40] : memref<4x16x1024xf32, #tpu.memory_space<vmem>> -> memref<1x16x1024xf32, #tpu.memory_space<vmem>>
    %dma_wait3A_42 = tpu.memref_squeeze %dma_wait3A_41 : memref<1x16x1024xf32, #tpu.memory_space<vmem>> -> memref<16x1024xf32, #tpu.memory_space<vmem>>
    tpu.wait_dma2 semaphore(%dma_wait3A_35 : memref<!tpu.dma_semaphore, #tpu.memory_space<semaphore_mem>>) src(%dma_wait3A_42 : memref<16x1024xf32, #tpu.memory_space<vmem>>) dst(%dma_wait3A_38 : memref<16x1024xf32, #tpu.memory_space<hbm>>)
    %dma_wait3A_43 = arith.constant 2 : i32
    %dma_wait3A_44 = arith.constant 2 : i32
    %dma_wait3A_45 = arith.constant 0 : i32
    %dma_wait3A_46 = arith.constant 0 : i32
    %dma_wait3A_47 = tpu.memref_slice %arg6[%dma_wait3A_43, %dma_wait3A_45, %dma_wait3A_46] : memref<4x16x1024xf32, #tpu.memory_space<vmem>> -> memref<1x16x1024xf32, #tpu.memory_space<vmem>>
    %dma_wait3A_48 = tpu.memref_squeeze %dma_wait3A_47 : memref<1x16x1024xf32, #tpu.memory_space<vmem>> -> memref<16x1024xf32, #tpu.memory_space<vmem>>
    %dma_wait3A_49 = arith.constant 0 : i32
    %dma_wait3A_50 = arith.constant 0 : i32
    %dma_wait3A_51 = tpu.memref_slice %arg4[%dma_wait3A_49, %dma_wait3A_50] : memref<32768x1024xf32, #tpu.memory_space<hbm>> -> memref<16x1024xf32, #tpu.memory_space<hbm>>
    %dma_wait3A_52 = tpu.memref_slice %arg8[%dma_wait3A_44] : memref<4x!tpu.dma_semaphore, #tpu.memory_space<semaphore_mem>> -> memref<1x!tpu.dma_semaphore, #tpu.memory_space<semaphore_mem>>
    %dma_wait3A_53 = tpu.memref_squeeze %dma_wait3A_52 : memref<1x!tpu.dma_semaphore, #tpu.memory_space<semaphore_mem>> -> memref<!tpu.dma_semaphore, #tpu.memory_space<semaphore_mem>>
    %dma_wait3A_54 = arith.constant 0 : i32
    %dma_wait3A_55 = arith.constant 0 : i32
    %dma_wait3A_56 = tpu.memref_slice %arg4[%dma_wait3A_54, %dma_wait3A_55] : memref<32768x1024xf32, #tpu.memory_space<hbm>> -> memref<16x1024xf32, #tpu.memory_space<hbm>>
    %dma_wait3A_57 = arith.constant 0 : i32
    %dma_wait3A_58 = arith.constant 0 : i32
    %dma_wait3A_59 = tpu.memref_slice %arg6[%dma_wait3A_43, %dma_wait3A_57, %dma_wait3A_58] : memref<4x16x1024xf32, #tpu.memory_space<vmem>> -> memref<1x16x1024xf32, #tpu.memory_space<vmem>>
    %dma_wait3A_60 = tpu.memref_squeeze %dma_wait3A_59 : memref<1x16x1024xf32, #tpu.memory_space<vmem>> -> memref<16x1024xf32, #tpu.memory_space<vmem>>
    tpu.wait_dma2 semaphore(%dma_wait3A_53 : memref<!tpu.dma_semaphore, #tpu.memory_space<semaphore_mem>>) src(%dma_wait3A_60 : memref<16x1024xf32, #tpu.memory_space<vmem>>) dst(%dma_wait3A_56 : memref<16x1024xf32, #tpu.memory_space<hbm>>)
    %dma_wait3A_61 = arith.constant 3 : i32
    %dma_wait3A_62 = arith.constant 3 : i32
    %dma_wait3A_63 = arith.constant 0 : i32
    %dma_wait3A_64 = arith.constant 0 : i32
    %dma_wait3A_65 = tpu.memref_slice %arg6[%dma_wait3A_61, %dma_wait3A_63, %dma_wait3A_64] : memref<4x16x1024xf32, #tpu.memory_space<vmem>> -> memref<1x16x1024xf32, #tpu.memory_space<vmem>>
    %dma_wait3A_66 = tpu.memref_squeeze %dma_wait3A_65 : memref<1x16x1024xf32, #tpu.memory_space<vmem>> -> memref<16x1024xf32, #tpu.memory_space<vmem>>
    %dma_wait3A_67 = arith.constant 0 : i32
    %dma_wait3A_68 = arith.constant 0 : i32
    %dma_wait3A_69 = tpu.memref_slice %arg4[%dma_wait3A_67, %dma_wait3A_68] : memref<32768x1024xf32, #tpu.memory_space<hbm>> -> memref<16x1024xf32, #tpu.memory_space<hbm>>
    %dma_wait3A_70 = tpu.memref_slice %arg8[%dma_wait3A_62] : memref<4x!tpu.dma_semaphore, #tpu.memory_space<semaphore_mem>> -> memref<1x!tpu.dma_semaphore, #tpu.memory_space<semaphore_mem>>
    %dma_wait3A_71 = tpu.memref_squeeze %dma_wait3A_70 : memref<1x!tpu.dma_semaphore, #tpu.memory_space<semaphore_mem>> -> memref<!tpu.dma_semaphore, #tpu.memory_space<semaphore_mem>>
    %dma_wait3A_72 = arith.constant 0 : i32
    %dma_wait3A_73 = arith.constant 0 : i32
    %dma_wait3A_74 = tpu.memref_slice %arg4[%dma_wait3A_72, %dma_wait3A_73] : memref<32768x1024xf32, #tpu.memory_space<hbm>> -> memref<16x1024xf32, #tpu.memory_space<hbm>>
    %dma_wait3A_75 = arith.constant 0 : i32
    %dma_wait3A_76 = arith.constant 0 : i32
    %dma_wait3A_77 = tpu.memref_slice %arg6[%dma_wait3A_61, %dma_wait3A_75, %dma_wait3A_76] : memref<4x16x1024xf32, #tpu.memory_space<vmem>> -> memref<1x16x1024xf32, #tpu.memory_space<vmem>>
    %dma_wait3A_78 = tpu.memref_squeeze %dma_wait3A_77 : memref<1x16x1024xf32, #tpu.memory_space<vmem>> -> memref<16x1024xf32, #tpu.memory_space<vmem>>
    tpu.wait_dma2 semaphore(%dma_wait3A_71 : memref<!tpu.dma_semaphore, #tpu.memory_space<semaphore_mem>>) src(%dma_wait3A_78 : memref<16x1024xf32, #tpu.memory_space<vmem>>) dst(%dma_wait3A_74 : memref<16x1024xf32, #tpu.memory_space<hbm>>)
    return
  }
}

</mosaic_0001>

<sc_bundles>
// kernel: _gather_rows.3.cloned.1.call-start
scs
__scs_entry_jumppad:
0x0: {  	(pc) =	sbr.rel $0x88, $3  }
0x1: {  	(tag) =	ssettag $0x0;
	lr =	simm.s32 $0x1  }
0x2: {  	[smem:$0x3F9F] =	sst lr;
	_ =	strace $0xD0000000  }
0x3: {  	_ = 	snop  }
0x4: {  	_ = 	snop  }
0x5: {  	_ = 	snop  }
0x6: {  	_ = 	snop  }
0x7: {  	_ = 	snop  }
__scs_overlays_trampoline_lowered:
0x8: {  	[smem:$0x3FAE] =	sst s0  }
0x9: {  	[smem:$0x3FAF] =	sst s1  }
0xa: {  	[smem:$0x3FB0] =	sst s2  }
0xb: {  	[smem:$0x3FB1] =	sst s3  }
0xc: {  	[smem:$0x3FB2] =	sst s4  }
0xd: {  	[smem:$0x3FB3] =	sst s5  }
0xe: {  	[smem:$0x3FB4] =	sst s6  }
0xf: {  	[smem:$0x3FB5] =	sst s7  }
0x10: {  	[smem:$0x3FB6] =	sst s8  }
0x11: {  	[smem:$0x3FB7] =	sst s9;
	s0 =	simm.s32 @!p0 $0x0  }
0x12: {  	s1 =	sld [smem:$0x3F9D];
	s0 =	simm.s32 @p0 $0x1  }
0x13: {  	[smem:$0x3FB8] =	sst s0;
	s0 =	simm.s32 @!p1 $0x0  }
0x14: {  	s2 =	sld [smem:$0x3F9C];
	s0 =	simm.s32 @p1 $0x1  }
0x15: {  	[smem:$0x3FB9] =	sst s0;
	s0 =	simm.s32 @!p2 $0x0  }
0x16: {  	s3 =	sld [smem:$0x3FDB];
	s0 =	simm.s32 @p2 $0x1  }
0x17: {  	s4 =	simm.s32 $0x1BF5;
	[smem:$0x3FBB] =	sst s0  }
0x18: {  	s0 =	sld [smem:$0x3F9E];
	_ =	swait.ge [sflag:s4], $0x0  }
0x19: {  	s7 =	sld [smem:$0x3F9F]  }
0x1a: {  	s8 =	sadd.s32 $0xFFFFE003, lr  }
0x1b: {  	s9 =	sadd.s32 $0xFFFFFEF7, lr;
	s5 =	simm.s32 $0xFFFFFFFF;
	p2 =	slt.u32 s8, $0xFFFFF086  }
0x1c: {  	p1 =	slt.u32 s9, $0xF7A;
	s5 =	simm.s32 @!p2 $0x0  }
0x1d: {  	s5 =	simm.s32 @p1 $0x1;
	p0 =	seq.s32 s7, s2  }
0x1e: {  	s7 =	smul.u32 @!p0 $0xF7A, s2;
	p2 =	seq.s32 @!p0 s5, $0x0  }
0x1f: {  	s9 =	smul.u32 $0xF7A, s1;
	s8 =	simm.s32 @!p0 $0x1BF5;
	p2 =	por !p2, p0  }
0x20: {  	[sflag:s8] =	ssyncset.s32 @!p0 $0xFFFFF086;
	s6 =	sadd.s32 @!p0 s3, s7;
	s7 =	simm.s32 @!p0 $0x108  }
0x21: {  	s3 =	sadd.s32 s3, s9;
	s6 =	sadd.s32 @!p0 $0x88, s6;
	s7 =	simm.s32 @p2 $0x1082  }
0x22: {  	[simem:s7], [sflag:s8] =	dma.local @!p0 [hbm:s6], $0xF7A  }
0x23: {  	s9 =	sor.u32 $0xD0000000, s2;
	s6 =	simm.s32 $0x108;
	_ =	swait.ge @!p0 [sflag:s8], $0x0  }
0x24: {  	s3 =	sadd.s32 $0x88, s3;
	s6 =	simm.s32 @!p1 $0x1082;
	[sflag:s4] =	ssyncset.s32 $0xFFFFF086  }
0x25: {  	[simem:s6], [sflag:s4] =	dma.local [hbm:s3], $0xF7A  }
0x26: {  	[smem:$0x3F9F] =	sst s1;
	(tag) =	ssettag s2;
	_ =	strace s9  }
0x27: {  	s1 =	sld [smem:$0x3FAF]  }
0x28: {  	s2 =	sld [smem:$0x3FB0]  }
0x29: {  	s4 =	sld [smem:$0x3FB2]  }
0x2a: {  	p0 =	seq.s32 s5, $0x0;
	s5 =	sld [smem:$0x3FB3]  }
0x2b: {  	s6 =	sld [smem:$0x3FB4]  }
0x2c: {  	s7 =	sld [smem:$0x3FB5]  }
0x2d: {  	s3 =	simm.s32 $0x108;
	s8 =	sld [smem:$0x3FB6]  }
0x2e: {  	s3 =	simm.s32 @!p0 $0x1082;
	s9 =	sld [smem:$0x3FB7]  }
0x2f: {  	lr =	sadd.s32 s0, s3;
	s0 =	sld [smem:$0x3FAE]  }
0x30: {  	s3 =	sld [smem:$0x3FB1]  }
0x31: {  	[smem:$0x3FBA] =	sst s10  }
0x32: {  	s10 =	sld [smem:$0x3FB8];
	_ =	sdelay $0x3  }
0x33: {  	p0 =	seq.s32 s10, $0x1;
	s10 =	sld [smem:$0x3FBA];
	_ =	sdelay $0x3  }
0x34: {  	[smem:$0x3FBA] =	sst s10  }
0x35: {  	s10 =	sld [smem:$0x3FB9];
	_ =	sdelay $0x3  }
0x36: {  	p1 =	seq.s32 s10, $0x1;
	s10 =	sld [smem:$0x3FBA];
	_ =	sdelay $0x3  }
0x37: {  	[smem:$0x3FBA] =	sst s10  }
0x38: {  	s10 =	sld [smem:$0x3FBB]  }
0x39: {  	_ = 	snop;
	(pc) =	sbr.ind lr, $3  }
0x3a: {  	_ = 	snop  }
0x3b: {  	_ = 	snop  }
0x3c: {  	p2 =	seq.s32 s10, $0x1;
	s10 =	sld [smem:$0x3FBA]  }
0x3d: {  	_ =	shalt  }
0x3e: {  	_ =	shalt  }
0x3f: {  	_ =	shalt  }
0x40: {  	_ =	shalt  }
0x41: {  	_ =	shalt  }
0x42: {  	_ =	shalt  }
0x43: {  	_ =	shalt  }
0x44: {  	_ =	shalt  }
0x45: {  	_ =	shalt  }
0x46: {  	_ =	shalt  }
0x47: {  	_ =	shalt  }
0x48: {  	_ =	shalt  }
0x49: {  	_ =	shalt  }
0x4a: {  	_ =	shalt  }
0x4b: {  	_ =	shalt  }
0x4c: {  	_ =	shalt  }
0x4d: {  	_ =	shalt  }
0x4e: {  	_ =	shalt  }
0x4f: {  	_ =	shalt  }
0x50: {  	_ =	shalt  }
0x51: {  	_ =	shalt  }
0x52: {  	_ =	shalt  }
0x53: {  	_ =	shalt  }
0x54: {  	_ =	shalt  }
0x55: {  	_ =	shalt  }
0x56: {  	_ =	shalt  }
0x57: {  	_ =	shalt  }
0x58: {  	_ =	shalt  }
0x59: {  	_ =	shalt  }
0x5a: {  	_ =	shalt  }
0x5b: {  	_ =	shalt  }
0x5c: {  	_ =	shalt  }
0x5d: {  	_ =	shalt  }
0x5e: {  	_ =	shalt  }
0x5f: {  	_ =	shalt  }
0x60: {  	_ =	shalt  }
0x61: {  	_ =	shalt  }
0x62: {  	_ =	shalt  }
0x63: {  	_ =	shalt  }
0x64: {  	_ =	shalt  }
0x65: {  	_ =	shalt  }
0x66: {  	_ =	shalt  }
0x67: {  	_ =	shalt  }
0x68: {  	_ =	shalt  }
0x69: {  	_ =	shalt  }
0x6a: {  	_ =	shalt  }
0x6b: {  	_ =	shalt  }
0x6c: {  	_ =	shalt  }
0x6d: {  	_ =	shalt  }
0x6e: {  	_ =	shalt  }
0x6f: {  	_ =	shalt  }
0x70: {  	_ =	shalt  }
0x71: {  	_ =	shalt  }
0x72: {  	_ =	shalt  }
0x73: {  	_ =	shalt  }
0x74: {  	_ =	shalt  }
0x75: {  	_ =	shalt  }
0x76: {  	_ =	shalt  }
0x77: {  	_ =	shalt  }
0x78: {  	_ =	shalt  }
0x79: {  	_ =	shalt  }
0x7a: {  	_ =	shalt  }
0x7b: {  	_ =	shalt  }
0x7c: {  	_ =	shalt  }
0x7d: {  	_ =	shalt  }
0x7e: {  	_ =	shalt  }
0x7f: {  	_ =	shalt  }
0x80: {  	_ =	shalt  }
0x81: {  	_ =	shalt  }
0x82: {  	_ =	shalt  }
0x83: {  	_ =	shalt  }
0x84: {  	_ =	shalt  }
0x85: {  	_ =	shalt  }
0x86: {  	_ =	shalt  }
0x87: {  	_ =	shalt  }
.Lfunc_end0:
.L_simem_size_0:
called_computation_lowered:
.L_overlay_start_0:
0x88: {  	s2 =	sld [smem:$0x3FD9]  }
0x89: {  	s3 =	sld [smem:$0x3FFE];
	_ =	sdelay $0x1  }
0x8a: {  	s1 =	srdreg.scid  }
0x8b: {  	s0 =	sand.u32 $0x1, s1  }
0x8c: {  	s17 =	sshll.u32 s0, $0xA;
	s2 =	sadd.s32 s3, s2  }
0x8d: {  	s2 =	sadd.s32 s2, s17  }
0x8e: {  	[smem:$0x3FC6] =	sst s2  }
0x8f: {  	_ = 	snop  }
0x90: {  	s2 =	sld [smem:$0x3FC9]  }
0x91: {  	s18 =	sld [smem:$0x3FD0];
	(tm) =	ssettm $0x1  }
0x92: {  	s4 =	sld [smem:$0x3FFB];
	_ =	sdelay $0x3  }
0x93: {  	_ =	strace s4  }
0x94: {  	s4 =	sld [smem:$0x3FFC];
	_ =	sdelay $0x3  }
0x95: {  	_ =	strace s4  }
0x96: {  	s4 =	sld [smem:$0x3FFD];
	_ =	sdelay $0x3  }
0x97: {  	_ =	strace s4  }
0x98: {  	_ =	strace $0x8FFFFFFF  }
0x99: {  	s19 =	sld [smem:$0x3FDB];
	_ =	sdelay $0x1  }
0x9a: {  	s5 =	simm.s32 $_scs_section_size  }
0x9b: {  	s6 =	simm.s32 $_size__tile_overlayer_lowered;
	s7 =	simm.s32 $_tile_overlayer_lowered  }
0x9c: {  	s22 =	simm.s32 $0x1BFF;
	s21 =	sshll.u32 s7, $0x1;
	s4 =	sadd.s32 s5, s19  }
0x9d: {  	s8 =	simm.s32 $0x0;
	s20 =	sshll.u32 s6, $0x1;
	s6 =	sadd.s32 s21, s4  }
0x9e: {  	[timem:s8], [sflag:s22] =	dma.local [hbm:s6], s20  }
0x9f: {  	_ =	swait.ge [sflag:s22], s20  }
0xa0: {  	s5 =	ssub.s32 $0x0, s20;
	[sflag:s22] =	ssyncset.done $0x0  }
0xa1: {  	[sflag:s22] =	ssyncadd.s32 s5;
	_ =	sdelay $0x1  }
0xa2: {  	s23 =	simm.s32 $0x1B8B  }
0xa3: {  	_ =	swait.ge [sflag:s23], $0x1  }
0xa4: {  	[sflag:s23] =	ssyncset.done $0x0  }
0xa5: {  	s25 =	simm.s32 $0x1B8E;
	s24 =	sld [smem:$0x3FFE];
	[sflag:s23] =	ssyncadd.s32 $0xFFFFFFFF  }
0xa6: {  	s26 =	simm.s32 $execute0_lowered;
	[smem:$0x3FD2] =	sst s25  }
0xa7: {  	s6 =	sshll.u32 s26, $0x1;
	_ =	strace $0x80000046;
	[dreg:$0x1] =	wrdreg $0xFFFFFFFF  }
0xa8: {  	s28 =	simm.s32 $_size_execute0_lowered;
	s4 =	sadd.s32 s4, s6;
	[dreg:$0x0] =	wrdreg $0x0  }
0xa9: {  	s6 =	sshll.u32 s28, $0x1;
	[dreg:$0x2] =	wrdreg s4  }
0xaa: {  	[dreg:$0x3] =	wrdreg s6  }
0xab: {  	[dreg:$0x4] =	wrdreg $0xC0  }
0xac: {  	_ =	task [dreg:s8], $0x5FFFF  }
0xad: {  	[dreg:$0x1] =	wrdreg $0xFFFFFFFF  }
0xae: {  	[dreg:$0x0] =	wrdreg $0x60  }
0xaf: {  	[dreg:$0x2] =	wrdreg s2  }
0xb0: {  	[dreg:$0x3] =	wrdreg s24  }
0xb1: {  	[dreg:$0x4] =	wrdreg s18  }
0xb2: {  	[dreg:$0x5] =	wrdreg $0x9  }
0xb3: {  	_ =	task.clear_ibuf [dreg:s8], $0x6FFFF;
	_ =	strace $0x90000046  }
0xb4: {  	s29 =	simm.s32 $0x9;
	_ =	strace $0x80000048  }
0xb5: {  	_ =	swait.ge [sflag:s29], $0x1  }
0xb6: {  	[sflag:s29] =	ssyncadd.s32 $0xFFFFFFFF  }
0xb7: {  	_ =	strace $0x90000048  }
0xb8: {  	_ =	sfence  }
0xb9: {  	s30 =	sld [smem:$0x0];
	_ =	sdelay $0x2  }
0xba: {  	s31 =	sshll.u32 s1, $0xD;
	s1 =	sshrl.u32 s1, $0x2  }
0xbb: {  	s3 =	sand.u32 $0x4000, s31;
	s1 =	sadd.s32 s1, s30  }
0xbc: {  	s0 =	sor.u32 s3, s0;
	s1 =	sshll.u32 s1, $0x11  }
0xbd: {  	s0 =	sor.u32 s1, s0  }
0xbe: {  	s0 =	sadd.s32 $0x8F2B, s0  }
0xbf: {  	[sflag:s0] =	ssyncadd.remote.s32 $0x1  }
0xc0: {  	_ =	sfence.sel $0xFFFF  }
0xc1: {  	[dreg:$0x0] =	wrdreg $0xFFFFFFFF;
	(pc) =	sbr.abs _section_cstart, $3  }
0xc2: {  	[dreg:$0x1] =	wrdreg $0xFFFFFFFF  }
0xc3: {  	_ =	task.clear_ibuf [dreg:s8], $0x2FFFF;
	_ =	strace $0x9FFFFFFF  }
0xc4: {  	(tm) =	ssettm $0x7FFFFFFF  }
0xc5: {  	_ =	shalt  }
tec
execute0_lowered:
.L_overlay_start_1:
0x0: {  	(tag) =	ssettag $0x1  }
0x1: {  	s1 =	rddreg [dreg:$0x0]  }
0x2: {  	s0 =	rddreg [dreg:$0x1]  }
0x3: {  	s4 =	rddreg [dreg:$0x2];
	s3 =	simm.s32 $0x0  }
0x4: {  	s31 =	simm.s32 $0x2800;
	[smem:$0x7FF] =	sst s3  }
0x5: {  	s7 =	simm.s32 $0x3800;
	_ =	strace $0x80000047;
	[dreg:$0x5] =	wrdreg s31  }
0x6: {  	s8 =	simm.s32 $0x4000;
	[dreg:$0x7] =	wrdreg s7  }
0x7: {  	s9 =	simm.s32 $0x4800;
	[dreg:$0x8] =	wrdreg s8  }
0x8: {  	s11 =	simm.s32 $0x5000;
	[dreg:$0x9] =	wrdreg s9  }
0x9: {  	s5 =	srdreg.scid;
	s12 =	simm.s32 $0x5800;
	[dreg:$0xa] =	wrdreg s11  }
0xa: {  	s2 =	stileid.u32;
	s13 =	simm.s32 $0x6800;
	[dreg:$0xb] =	wrdreg s12  }
0xb: {  	s14 =	simm.s32 $0x7000;
	s15 =	simm.s32 $0x7800;
	[dreg:$0xc] =	wrdreg s13  }
0xc: {  	s17 =	simm.s32 $0x8000;
	s18 =	simm.s32 $0x8800;
	[dreg:$0xd] =	wrdreg s14  }
0xd: {  	s19 =	simm.s32 $0x9000;
	s20 =	simm.s32 $0x9800;
	[dreg:$0xe] =	wrdreg s15  }
0xe: {  	s21 =	simm.s32 $0xA800;
	s22 =	simm.s32 $0xB000;
	[dreg:$0xf] =	wrdreg s17  }
0xf: {  	s23 =	simm.s32 $0xB800;
	s24 =	simm.s32 $0xC000;
	[dreg:$0x10] =	wrdreg s18  }
0x10: {  	s25 =	simm.s32 $0xC800;
	s28 =	simm.s32 $0x7;
	[dreg:$0x11] =	wrdreg s19  }
0x11: {  	s29 =	simm.s32 $0x8;
	s30 =	simm.s32 $0x0;
	[dreg:$0x12] =	wrdreg s20  }
0x12: {  	s5 =	sand.u32 $0x1, s5;
	s6 =	sshll.u32 s2, $0x12;
	[dreg:$0x13] =	wrdreg s21  }
0x13: {  	s10 =	sshll.u32 s2, $0xB;
	s4 =	sadd.s32 s6, s4;
	[dreg:$0x14] =	wrdreg s22  }
0x14: {  	s26 =	sshll.u32 s5, $0x11;
	s6 =	simm.s32 $0x3000;
	[dreg:$0x15] =	wrdreg s23  }
0x15: {  	s7 =	sshll.u32 s5, $0xA;
	s5 =	ssub.s32 $0x2, s5;
	[dreg:$0x16] =	wrdreg s24  }
0x16: {  	s9 =	simm.s32 $0x9;
	s11 =	simm.s32 $0x6000;
	[dreg:$0x17] =	wrdreg s25  }
0x17: {  	s12 =	simm.s32 $0xA000;
	s31 =	simm.s32 $0xD800;
	s13 =	simm.s32 $0xE000  }
0x18: {  	s14 =	simm.s32 $0xE800;
	s15 =	simm.s32 $0xF000;
	s17 =	simm.s32 $0x10000  }
0x19: {  	s18 =	simm.s32 $0x10800;
	s19 =	simm.s32 $0x11000;
	s20 =	simm.s32 $0x11800  }
0x1a: {  	s21 =	simm.s32 $0x1;
	s22 =	simm.s32 $0x2;
	s23 =	simm.s32 $0x3  }
0x1b: {  	s24 =	simm.s32 $0x4;
	s25 =	simm.s32 $0x5;
	s4 =	sadd.s32 s26, s4  }
0x1c: {  	[dreg:$0x6] =	wrdreg s6;
	s6 =	sor.u32 s7, s10;
	s16 =	sshrl.u32 s5, $0x1  }
0x1d: {  	s7 =	sadd.s32 $0x300, s1;
	s10 =	simm.s32 $0x2000;
	[dreg:$0x19] =	wrdreg s31  }
0x1e: {  	s26 =	simm.s32 $0xD000;
	[dreg:$0x4] =	wrdreg s4;
	s0 =	sadd.s32 s6, s0  }
0x1f: {  	v2 =	vlaneseq.u32;
	s8 =	ssub.s32 s5, s16;
	s5 =	sadd.s32 $0x100, s1;
	s6 =	sadd.s32 $0x200, s1  }
0x20: {  	vm0 =	vmmov $0xffff;
	v1 =	vshrl.u32 v2, $0x3;
	[dreg:$0x18] =	wrdreg s26;
	s16 =	simm.s32 $0xF800;
	s0 =	sadd.s32 $0x400, s0  }
0x21: {  	v0 =	vand.u32 $0x7, v2;
	v2 =	vor.u32 $0x8, v2;
	v1 =	vmul.u32 $0x8, v1;
	s26 =	simm.s32 $0x6;
	s8 =	smax.u32 s8, $0x1;
	[dreg:$0x1a] =	wrdreg s0  }
.LBB2_1:
0x22: {  	s0 =	rddreg [dreg:$0x1a]  }
0x23: {  	[tilespmem:s3], [sflag:$0x9] =	stream.linear.gather [hbm4b:s0+s3], $0x2000, $0x38;
	[tilespmem:$0x12000] =	vst v63  }
0x24: {  	_ =	swait.ge [sflag:s9], $0x2000  }
0x25: {  	[sflag:s9] =	ssyncset.done $0x0  }
0x26: {  	s31 =	simm.s32 $0x100;
	s0 =	simm.s32 $0x0;
	[sflag:s9] =	ssyncadd.s32 $0xFFFFE000  }
.LBB2_2:
0x27: {  	p0 =	seq.s32 s0, $0x0  }
0x28: {  	s2 =	simm.s32 @!p0 $0x5  }
0x29: {  	_ =	swait.ge @!p0 [sflag:s2], $0x4000  }
0x2a: {  	[sflag:s2] =	ssyncset.done @!p0 $0x0  }
0x2b: {  	[sflag:s2] =	ssyncadd.s32 @!p0 $0xFFFFC000  }
0x2c: {  	v3 =	vld [tilespmem:s31+$0xFFFFFF00];
	_ =	sdelay $0x4  }
0x2d: {  	v4 =	vshll.u32 v3, $0x3  }
0x2e: {  	v3 =	vand.u32 $0x7, v3;
	v4 =	vand.u32 $0xFFFFFFC0, v4  }
0x2f: {  	v3 =	vor.u32 v3, v4  }
0x30: {  	v4 =	vperm.xlane v3, v0;
	_ =	sdelay $0x1  }
0x31: {  	v4 =	vadd.s32 v1, v4;
	_ =	sdelay $0x4  }
0x32: {  	[tilespmem:s10], [sflag:$0x1] =	stream.indirect_vreg.gather [hbm4b:s1+s3], $0x80, v4, vm0, $0xb8;
	[tilespmem:$0x12000] =	vst v63  }
0x33: {  	s2 =	rddreg [dreg:$0x5];
	v3 =	vperm.xlane v3, v2  }
0x34: {  	[tilespmem:s2], [sflag:$0x1] =	stream.indirect_vreg.gather [hbm4b:s5+s3], $0x80, v4, vm0, $0xb8;
	[tilespmem:$0x12000] =	vst v63  }
0x35: {  	s4 =	rddreg [dreg:$0x6];
	v3 =	vadd.s32 v1, v3  }
0x36: {  	[tilespmem:s4], [sflag:$0x1] =	stream.indirect_vreg.gather [hbm4b:s6+s3], $0x80, v4, vm0, $0xb8;
	[tilespmem:$0x12000] =	vst v63  }
0x37: {  	s2 =	rddreg [dreg:$0x7]  }
0x38: {  	[tilespmem:s2], [sflag:$0x1] =	stream.indirect_vreg.gather [hbm4b:s7+s3], $0x80, v4, vm0, $0xb8;
	[tilespmem:$0x12000] =	vst v63  }
0x39: {  	s4 =	rddreg [dreg:$0x8]  }
0x3a: {  	[tilespmem:s4], [sflag:$0x1] =	stream.indirect_vreg.gather [hbm4b:s1+s3], $0x80, v3, vm0, $0xb8;
	[tilespmem:$0x12000] =	vst v63  }
0x3b: {  	s2 =	rddreg [dreg:$0x9]  }
0x3c: {  	[tilespmem:s2], [sflag:$0x1] =	stream.indirect_vreg.gather [hbm4b:s5+s3], $0x80, v3, vm0, $0xb8;
	[tilespmem:$0x12000] =	vst v63  }
0x3d: {  	s4 =	rddreg [dreg:$0xa]  }
0x3e: {  	[tilespmem:s4], [sflag:$0x1] =	stream.indirect_vreg.gather [hbm4b:s6+s3], $0x80, v3, vm0, $0xb8;
	[tilespmem:$0x12000] =	vst v63  }
0x3f: {  	s2 =	rddreg [dreg:$0xb]  }
0x40: {  	[tilespmem:s2], [sflag:$0x1] =	stream.indirect_vreg.gather [hbm4b:s7+s3], $0x80, v3, vm0, $0xb8;
	[tilespmem:$0x12000] =	vst v63  }
0x41: {  	s2 =	simm.s32 @!p0 $0x6  }
0x42: {  	_ =	swait.ge @!p0 [sflag:s2], $0x4000  }
0x43: {  	[sflag:s2] =	ssyncset.done @!p0 $0x0  }
0x44: {  	[sflag:s2] =	ssyncadd.s32 @!p0 $0xFFFFC000  }
0x45: {  	v3 =	vld [tilespmem:s31+$0xFFFFFF80];
	_ =	sdelay $0x4  }
0x46: {  	v61 =	vshll.u32 v3, $0x3  }
0x47: {  	v3 =	vand.u32 $0x7, v3;
	v4 =	vand.u32 $0xFFFFFFC0, v61  }
0x48: {  	v3 =	vor.u32 v3, v4  }
0x49: {  	v4 =	vperm.xlane v3, v0;
	_ =	sdelay $0x1  }
0x4a: {  	v4 =	vadd.s32 v1, v4;
	_ =	sdelay $0x4  }
0x4b: {  	[tilespmem:s11], [sflag:$0x2] =	stream.indirect_vreg.gather [hbm4b:s1+s3], $0x80, v4, vm0, $0xb8;
	[tilespmem:$0x12000] =	vst v63  }
0x4c: {  	s2 =	rddreg [dreg:$0xc];
	v3 =	vperm.xlane v3, v2  }
0x4d: {  	[tilespmem:s2], [sflag:$0x2] =	stream.indirect_vreg.gather [hbm4b:s5+s3], $0x80, v4, vm0, $0xb8;
	[tilespmem:$0x12000] =	vst v63  }
0x4e: {  	s4 =	rddreg [dreg:$0xd];
	v3 =	vadd.s32 v1, v3  }
0x4f: {  	[tilespmem:s4], [sflag:$0x2] =	stream.indirect_vreg.gather [hbm4b:s6+s3], $0x80, v4, vm0, $0xb8;
	[tilespmem:$0x12000] =	vst v63  }
0x50: {  	s2 =	rddreg [dreg:$0xe]  }
0x51: {  	[tilespmem:s2], [sflag:$0x2] =	stream.indirect_vreg.gather [hbm4b:s7+s3], $0x80, v4, vm0, $0xb8;
	[tilespmem:$0x12000] =	vst v63  }
0x52: {  	s4 =	rddreg [dreg:$0xf]  }
0x53: {  	[tilespmem:s4], [sflag:$0x2] =	stream.indirect_vreg.gather [hbm4b:s1+s3], $0x80, v3, vm0, $0xb8;
	[tilespmem:$0x12000] =	vst v63  }
0x54: {  	s2 =	rddreg [dreg:$0x10]  }
0x55: {  	[tilespmem:s2], [sflag:$0x2] =	stream.indirect_vreg.gather [hbm4b:s5+s3], $0x80, v3, vm0, $0xb8;
	[tilespmem:$0x12000] =	vst v63  }
0x56: {  	s4 =	rddreg [dreg:$0x11]  }
0x57: {  	[tilespmem:s4], [sflag:$0x2] =	stream.indirect_vreg.gather [hbm4b:s6+s3], $0x80, v3, vm0, $0xb8;
	[tilespmem:$0x12000] =	vst v63  }
0x58: {  	s2 =	rddreg [dreg:$0x12]  }
0x59: {  	[tilespmem:s2], [sflag:$0x2] =	stream.indirect_vreg.gather [hbm4b:s7+s3], $0x80, v3, vm0, $0xb8;
	[tilespmem:$0x12000] =	vst v63  }
0x5a: {  	s2 =	simm.s32 @!p0 $0x7  }
0x5b: {  	_ =	swait.ge @!p0 [sflag:s2], $0x4000  }
0x5c: {  	[sflag:s2] =	ssyncset.done @!p0 $0x0  }
0x5d: {  	[sflag:s2] =	ssyncadd.s32 @!p0 $0xFFFFC000  }
0x5e: {  	v3 =	vld [tilespmem:s31+$0x0];
	_ =	sdelay $0x4  }
0x5f: {  	v62 =	vshll.u32 v3, $0x3  }
0x60: {  	v3 =	vand.u32 $0x7, v3;
	v4 =	vand.u32 $0xFFFFFFC0, v62  }
0x61: {  	v3 =	vor.u32 v3, v4  }
0x62: {  	v4 =	vperm.xlane v3, v0;
	_ =	sdelay $0x1  }
0x63: {  	v4 =	vadd.s32 v1, v4;
	_ =	sdelay $0x4  }
0x64: {  	[tilespmem:s12], [sflag:$0x3] =	stream.indirect_vreg.gather [hbm4b:s1+s3], $0x80, v4, vm0, $0xb8;
	[tilespmem:$0x12000] =	vst v63  }
0x65: {  	s2 =	rddreg [dreg:$0x13];
	v3 =	vperm.xlane v3, v2  }
0x66: {  	[tilespmem:s2], [sflag:$0x3] =	stream.indirect_vreg.gather [hbm4b:s5+s3], $0x80, v4, vm0, $0xb8;
	[tilespmem:$0x12000] =	vst v63  }
0x67: {  	s4 =	rddreg [dreg:$0x14];
	v3 =	vadd.s32 v1, v3  }
0x68: {  	[tilespmem:s4], [sflag:$0x3] =	stream.indirect_vreg.gather [hbm4b:s6+s3], $0x80, v4, vm0, $0xb8;
	[tilespmem:$0x12000] =	vst v63  }
0x69: {  	s2 =	rddreg [dreg:$0x15]  }
0x6a: {  	[tilespmem:s2], [sflag:$0x3] =	stream.indirect_vreg.gather [hbm4b:s7+s3], $0x80, v4, vm0, $0xb8;
	[tilespmem:$0x12000] =	vst v63  }
0x6b: {  	s4 =	rddreg [dreg:$0x16]  }
0x6c: {  	[tilespmem:s4], [sflag:$0x3] =	stream.indirect_vreg.gather [hbm4b:s1+s3], $0x80, v3, vm0, $0xb8;
	[tilespmem:$0x12000] =	vst v63  }
0x6d: {  	s2 =	rddreg [dreg:$0x17]  }
0x6e: {  	[tilespmem:s2], [sflag:$0x3] =	stream.indirect_vreg.gather [hbm4b:s5+s3], $0x80, v3, vm0, $0xb8;
	[tilespmem:$0x12000] =	vst v63  }
0x6f: {  	s4 =	rddreg [dreg:$0x18]  }
0x70: {  	[tilespmem:s4], [sflag:$0x3] =	stream.indirect_vreg.gather [hbm4b:s6+s3], $0x80, v3, vm0, $0xb8;
	[tilespmem:$0x12000] =	vst v63  }
0x71: {  	s2 =	rddreg [dreg:$0x19]  }
0x72: {  	[tilespmem:s2], [sflag:$0x3] =	stream.indirect_vreg.gather [hbm4b:s7+s3], $0x80, v3, vm0, $0xb8;
	[tilespmem:$0x12000] =	vst v63  }
0x73: {  	s2 =	simm.s32 @!p0 $0x8  }
0x74: {  	_ =	swait.ge @!p0 [sflag:s2], $0x4000  }
0x75: {  	[sflag:s2] =	ssyncset.done @!p0 $0x0  }
0x76: {  	[sflag:s2] =	ssyncadd.s32 @!p0 $0xFFFFC000  }
0x77: {  	v3 =	vld [tilespmem:s31+$0x80];
	_ =	sdelay $0x4  }
0x78: {  	v63 =	vshll.u32 v3, $0x3  }
0x79: {  	v3 =	vand.u32 $0x7, v3;
	v4 =	vand.u32 $0xFFFFFFC0, v63  }
0x7a: {  	v3 =	vor.u32 v3, v4  }
0x7b: {  	v4 =	vperm.xlane v3, v0;
	_ =	sdelay $0x1  }
0x7c: {  	v4 =	vadd.s32 v1, v4;
	_ =	sdelay $0x4  }
0x7d: {  	[tilespmem:s13], [sflag:$0x4] =	stream.indirect_vreg.gather [hbm4b:s1+s3], $0x80, v4, vm0, $0xb8;
	[tilespmem:$0x12000] =	vst v63  }
0x7e: {  	v3 =	vperm.xlane v3, v2  }
0x7f: {  	[tilespmem:s14], [sflag:$0x4] =	stream.indirect_vreg.gather [hbm4b:s5+s3], $0x80, v4, vm0, $0xb8;
	[tilespmem:$0x12000] =	vst v63  }
0x80: {  	v3 =	vadd.s32 v1, v3  }
0x81: {  	[tilespmem:s15], [sflag:$0x4] =	stream.indirect_vreg.gather [hbm4b:s6+s3], $0x80, v4, vm0, $0xb8;
	[tilespmem:$0x12000] =	vst v63  }
0x82: {  	_ = 	snop  }
0x83: {  	[tilespmem:s16], [sflag:$0x4] =	stream.indirect_vreg.gather [hbm4b:s7+s3], $0x80, v4, vm0, $0xb8;
	[tilespmem:$0x12000] =	vst v63  }
0x84: {  	_ = 	snop  }
0x85: {  	[tilespmem:s17], [sflag:$0x4] =	stream.indirect_vreg.gather [hbm4b:s1+s3], $0x80, v3, vm0, $0xb8;
	[tilespmem:$0x12000] =	vst v63  }
0x86: {  	_ = 	snop  }
0x87: {  	[tilespmem:s18], [sflag:$0x4] =	stream.indirect_vreg.gather [hbm4b:s5+s3], $0x80, v3, vm0, $0xb8;
	[tilespmem:$0x12000] =	vst v63  }
0x88: {  	_ = 	snop  }
0x89: {  	[tilespmem:s19], [sflag:$0x4] =	stream.indirect_vreg.gather [hbm4b:s6+s3], $0x80, v3, vm0, $0xb8;
	[tilespmem:$0x12000] =	vst v63  }
0x8a: {  	_ = 	snop  }
0x8b: {  	[tilespmem:s20], [sflag:$0x4] =	stream.indirect_vreg.gather [hbm4b:s7+s3], $0x80, v3, vm0, $0xb8;
	[tilespmem:$0x12000] =	vst v63  }
0x8c: {  	_ =	swait.ge [sflag:s21], $0x4000  }
0x8d: {  	s4 =	rddreg [dreg:$0x4];
	[sflag:s21] =	ssyncset.done $0x0  }
0x8e: {  	[sflag:s21] =	ssyncadd.s32 $0xFFFFC000;
	s2 =	sadd.s32 s0, s4  }
0x8f: {  	[hbm4b:s2+s3] =	stream.linear.scatter [tilespmem:s10], [sflag:$0x5], $0x4000, $0x38;
	[tilespmem:$0x12000] =	vst v63  }
0x90: {  	_ =	swait.ge [sflag:s22], $0x4000  }
0x91: {  	[sflag:s22] =	ssyncset.done $0x0  }
0x92: {  	s4 =	sadd.s32 $0x800, s2;
	[sflag:s22] =	ssyncadd.s32 $0xFFFFC000  }
0x93: {  	[hbm4b:s4+s3] =	stream.linear.scatter [tilespmem:s11], [sflag:$0x6], $0x4000, $0x38;
	[tilespmem:$0x12000] =	vst v63  }
0x94: {  	_ =	swait.ge [sflag:s23], $0x4000  }
0x95: {  	s0 =	sadd.s32 $0x2000, s0;
	[sflag:s23] =	ssyncset.done $0x0  }
0x96: {  	p0 =	sne.s32 s0, $0x20000;
	s4 =	sadd.s32 $0x1000, s2;
	[sflag:s23] =	ssyncadd.s32 $0xFFFFC000  }
0x97: {  	[hbm4b:s4+s3] =	stream.linear.scatter [tilespmem:s12], [sflag:$0x7], $0x4000, $0x38;
	[tilespmem:$0x12000] =	vst v63  }
.Ltmp0:
0x98: {  	_ = 	snop;
	(pc) =	sbr.rel @p0 .LBB2_2-.Ltmp0, $4  }
0x99: {  	_ =	swait.ge [sflag:s24], $0x4000  }
0x9a: {  	[sflag:s24] =	ssyncset.done $0x0  }
0x9b: {  	s31 =	sadd.s32 $0x200, s31;
	s2 =	sadd.s32 $0x1800, s2;
	[sflag:s24] =	ssyncadd.s32 $0xFFFFC000  }
0x9c: {  	[hbm4b:s2+s3] =	stream.linear.scatter [tilespmem:s13], [sflag:$0x8], $0x4000, $0x38;
	[tilespmem:$0x12000] =	vst v63  }
0x9d: {  	_ =	swait.ge [sflag:s25], $0x4000  }
0x9e: {  	[sflag:s25] =	ssyncset.done $0x0  }
0x9f: {  	[sflag:s25] =	ssyncadd.s32 $0xFFFFC000  }
0xa0: {  	_ =	swait.ge [sflag:s26], $0x4000  }
0xa1: {  	[sflag:s26] =	ssyncset.done $0x0  }
0xa2: {  	s30 =	sadd.s32 $0x1, s30;
	[sflag:s26] =	ssyncadd.s32 $0xFFFFC000  }
0xa3: {  	p0 =	sne.s32 s30, s8;
	_ =	swait.ge [sflag:s28], $0x4000  }
.Ltmp1:
0xa4: {  	[sflag:s28] =	ssyncset.done $0x0;
	(pc) =	sbr.rel @p0 .LBB2_1-.Ltmp1, $4  }
0xa5: {  	[sflag:s28] =	ssyncadd.s32 $0xFFFFC000  }
0xa6: {  	_ =	swait.ge [sflag:s29], $0x4000  }
0xa7: {  	[sflag:s29] =	ssyncset.done $0x0  }
0xa8: {  	[sflag:s29] =	ssyncadd.s32 $0xFFFFC000  }
0xa9: {  	_ =	sfence.sel $0x180000  }
0xaa: {  	[bflag:$0x0] =	sbarrier.arrive $0xFFFF  }
0xab: {  	_ =	strace $0x90000047  }
0xac: {  	s0 =	stileid.u32;
	[bflag:$0x2] =	sbarrier.arrive $0xFFFF  }
0xad: {  	p0 =	sne.s32 s0, $0x0;
	s0 =	rddreg [dreg:$0x3]  }
0xae: {  	s0 =	sadd.s32 @!p0 $0x100000, s0  }
0xaf: {  	[sflag:s0] =	ssyncadd.tile.s32 @!p0 $0x1;
	_ =	shalt  }
.Lfunc_end2:
_tile_overlayer_lowered:
.L_overlay_start_2:
0xb0: {  	(tag) =	ssettag $0x2  }
0xb1: {  	s0 =	rddreg [dreg:$0x0];
	s2 =	stileid.u32  }
0xb2: {  	s1 =	rddreg [dreg:$0x1];
	p0 =	sne.s32 s2, $0x0  }
0xb3: {  	s3 =	rddreg [dreg:$0x2];
	[bflag:$0x3] =	sbarrier.arrive $0xFFFF;
	s2 =	simm.s32 @!p0 $0x1C09  }
0xb4: {  	[timem:s3], [sflag:s2] =	dma.local @!p0 [hbm:s0], s1  }
0xb5: {  	s0 =	simm.s32 @!p0 $0x9  }
0xb6: {  	_ =	swait.ge @!p0 [sflag:s0], s1  }
0xb7: {  	s1 =	ssub.s32 @!p0 $0x0, s1;
	[sflag:s0] =	ssyncset.done @!p0 $0x0  }
0xb8: {  	[sflag:s0] =	ssyncadd.s32 @!p0 s1  }
0xb9: {  	[bflag:$0x3] =	sbarrier.arrive $0xFFFF  }
0xba: {  	_ =	shalt  }

</sc_bundles>
